<compile_context>
chip_gen: v7x
topology: tpu7x:2x2x1
jax: 0.10.2.dev20260603
libtpu: 0.0.44.dev20260713+nightly
codegen_flags: <defaults>
</compile_context>

<pallas_src>
import functools

import jax
import jax.numpy as jnp
from jax import lax
from jax.experimental import pallas as pl
from jax.experimental.pallas import tpu as pltpu
from jax.experimental.pallas import tpu_sc as plsc

_T = 512
_ROWS_PER_W = 5
_CHUNKS = _T // 16
_THD = 0.7
_THD_INV = 1.0 / 0.7


def _sc_partials(comb_flat):
    info = plsc.get_sparse_core_info()
    NC, NS = info.num_cores, info.num_subcores
    NW = NC * NS
    elems = _ROWS_PER_W * _T
    mesh = plsc.VectorSubcoreMesh(core_axis_name="c", subcore_axis_name="s")

    @functools.partial(
        pl.kernel,
        mesh=mesh,
        compiler_params=pltpu.CompilerParams(
            needs_layout_passes=False, skip_device_barrier=True),
        out_type=jax.ShapeDtypeStruct((NW, 16), jnp.float32),
        scratch_types=[
            pltpu.VMEM((elems + 16,), jnp.int32),
            pltpu.VMEM((16,), jnp.float32),
        ],
    )
    def k(comb_hbm, out_hbm, v, tmp_v):
        wid = lax.axis_index("s") * NC + lax.axis_index("c")
        base = wid * elems
        v[pl.ds(0, 16)] = jnp.zeros((16,), jnp.int32)
        pltpu.sync_copy(comb_hbm.at[pl.ds(base, elems)], v.at[pl.ds(16, elems)])
        iota = lax.iota(jnp.int32, 16)
        zf = jnp.zeros((16,), jnp.float32)
        zi = jnp.zeros((16,), jnp.int32)
        lane15 = iota * 0 + 15
        dnums = lax.GatherDimensionNumbers(
            offset_dims=(), collapsed_slice_dims=(0,), start_index_map=(0,))

        def splat_last(x):
            return lax.gather(
                x, lane15[:, None], dimension_numbers=dnums, slice_sizes=(1,),
                mode=lax.GatherScatterMode.PROMISE_IN_BOUNDS)

        def chunk_body(i, carry):
            cs, sss, tp_vec, cnt_vec = carry
            ioff = i * 16
            valid = (ioff + iota) >= 1
            new_cs = []
            new_sss = []
            for r in range(_ROWS_PER_W):
                off = r * _T + ioff
                comb = v[pl.ds(off + 16, 16)]
                combp = plsc.load_gather(v, [off + 15 + iota])
                a = comb > 0
                prev = jnp.logical_and(valid, combp > 0)
                c = plsc.cumsum(comb) + cs[r]
                excl = c - comb
                is_start = jnp.logical_and(a, jnp.logical_not(prev))
                is_end = jnp.logical_and(prev, jnp.logical_not(a))
                m = jnp.where(is_start, excl, -1)
                ss = jnp.maximum(plsc.cummax(m), sss[r])
                diff = c - ss
                ps = lax.shift_right_logical(diff, 10)
                ls = jnp.bitwise_and(diff, 1023)
                ratio = ps.astype(jnp.float32) / (ls.astype(jnp.float32) + 1e-7)
                in_rng = jnp.logical_and(ratio >= _THD, ratio < _THD_INV)
                hit = jnp.logical_and(is_end, in_rng)
                tp_vec = tp_vec + jnp.where(hit, 1.0, 0.0)
                cnt_vec = cnt_vec + jnp.where(is_start, 1.0, 0.0)
                new_cs.append(splat_last(c))
                new_sss.append(splat_last(ss))
            return (tuple(new_cs), tuple(new_sss), tp_vec, cnt_vec)

        init = (
            tuple(zi for _ in range(_ROWS_PER_W)),
            tuple(zi - 1 for _ in range(_ROWS_PER_W)),
            zf, zf,
        )
        cs_f, sss_f, tp_vec, cnt_vec = lax.fori_loop(
            0, _CHUNKS, chunk_body, init)
        for r in range(_ROWS_PER_W):
            row0 = r * _T
            fc = v[pl.ds(row0 + _T, 16)]
            fin = splat_last(fc) > 0
            difff = cs_f[r] - sss_f[r]
            psf = lax.shift_right_logical(difff, 10).astype(jnp.float32)
            lsf = jnp.bitwise_and(difff, 1023).astype(jnp.float32)
            rf = psf / (lsf + 1e-7)
            in_f = jnp.logical_and(rf >= _THD, rf < _THD_INV)
            closes = jnp.logical_and(jnp.logical_and(fin, in_f), iota == 0)
            tp_vec = tp_vec + jnp.where(closes, 1.0, 0.0)
        tp_tot = jnp.sum(tp_vec)
        cnt_tot = jnp.sum(cnt_vec)
        outv = jnp.where(iota == 0, tp_tot, jnp.where(iota == 1, cnt_tot, 0.0))
        tmp_v[...] = outv
        pltpu.sync_copy(tmp_v, out_hbm.at[wid])

    return k(comb_flat)


def _combine_kernel(x_ref, o_ref):
    x = x_ref[...]
    pair = x.reshape(16, 2, 16).sum(axis=1)
    col = lax.broadcasted_iota(jnp.int32, (16, 16), 1)
    tp = jnp.sum(jnp.where(col == 0, pair, 0.0), axis=1, keepdims=True)
    cnt = jnp.sum(jnp.where(col == 1, pair, 0.0), axis=1, keepdims=True)
    denom = 0.5 * tp + 0.5 * cnt
    f = jnp.where(denom > 0, tp / denom, 0.0)
    o_ref[...] = jnp.sum(f, axis=(0, 1), keepdims=True) / 16


@jax.jit
def kernel(strong_preds, ground_truths):
    comb = (strong_preds.astype(jnp.int32) * 1024
            + ground_truths.astype(jnp.int32)).reshape(-1)
    partial = _sc_partials(comb)
    out = pl.pallas_call(
        _combine_kernel,
        out_shape=jax.ShapeDtypeStruct((1, 1), jnp.float32),
        compiler_params=pltpu.CompilerParams(skip_device_barrier=True),
    )(partial)
    return out[0, 0]

# --- scband reference (transcript-rebuilt; emitter-appended) ---
"""Pipeline reference for scband-sedmetrics-31645319037286 (READ-ONLY COPY).

The authoritative reference and input builder live on the scoring server;
editing this copy changes nothing except your own understanding.
"""

import jax, jax.numpy as jnp
import numpy as np


def setup_inputs(seed: int = 0) -> dict:
    key = jax.random.key(seed)
    k1, k2 = jax.random.split(key)
    strong_preds = jax.random.randint(k1, (16, 10, 512), 0, 2).astype(jnp.float32)
    ground_truths = jax.random.randint(k2, (16, 10, 512), 0, 2).astype(jnp.float32)
    return {"strong_preds": strong_preds, "ground_truths": ground_truths}


def reference(strong_preds, ground_truths):
    # Faithful JAX port of SEDMetrics.compute_avg_f1 (the module's main entry point)
    intersection_thd = 0.7
    bsz, num_cls, T = strong_preds.shape
    preds = strong_preds.astype(bool)
    labels = ground_truths.astype(bool)
    # torch: FloatTensor(T+1, T).fill_(1).triu().T  -> shape (T, T+1)
    idv_event_triu = jnp.triu(jnp.ones((T + 1, T), dtype=jnp.float32)).T
    all_events = jnp.logical_or(preds, labels).astype(jnp.float32)
    pad = jnp.zeros((bsz, num_cls, 1), dtype=jnp.float32)
    events_bdry = jnp.concatenate([all_events, pad], axis=-1) - jnp.concatenate([pad, all_events], axis=-1)
    max_events = bsz * num_cls * ((T + 1) // 2)
    num_events = (events_bdry == 1).sum()
    events_start = jnp.argwhere(events_bdry == 1, size=max_events, fill_value=0)
    events_end = jnp.argwhere(events_bdry == -1, size=max_events, fill_value=0)
    valid = (jnp.arange(max_events) < num_events).astype(jnp.float32)
    # gather full prediction/label rows for each event
    pred_full_events = strong_preds[events_start[:, 0], events_start[:, 1], :]
    label_full_events = ground_truths[events_start[:, 0], events_start[:, 1], :]
    idv_event_mask = (jnp.take(idv_event_triu, events_start[:, -1], axis=1)
                      - jnp.take(idv_event_triu, events_end[:, -1], axis=1)).T
    tp_compute = (pred_full_events * idv_event_mask).sum(-1) / ((label_full_events * idv_event_mask).sum(-1) + 1e-07)
    longer_preds = tp_compute >= intersection_thd
    shorter_preds = tp_compute < 1.0 / intersection_thd
    tp_full = jnp.logical_and(longer_preds, shorter_preds).astype(jnp.float32) * valid
    # compute_avg_f1 body: scatter per-event TP counts back to clips via one-hot matmul
    event_eye = jnp.eye(bsz, dtype=jnp.float32)
    event_to_clip = jnp.take(event_eye, events_start[:, 0], axis=0) * valid[:, None]
    tp_clip = tp_full[None, :] @ event_to_clip
    tp_fn_fp_clip = event_to_clip.sum(0)
    f_score = tp_clip / (0.5 * tp_clip + 0.5 * tp_fn_fp_clip)
    f_score = jnp.nan_to_num(f_score, nan=0.0, posinf=0.0, neginf=0.0)
    return f_score.mean()

if __name__ == "__main__":
    import jax
    _d = setup_inputs()
    print(jax.jit(kernel)(*tuple(_d.values())))

</pallas_src>

<mosaic_0001>
#map = affine_map<(d0, d1) -> (0)>
#map1 = affine_map<(d0, d1) -> (0, 0)>
module attributes {stable_mosaic.version = 14 : i64} {
  func.func @k(%arg0: i32, %arg1: i32, %arg2: memref<81920xi32, #tpu.memory_space<hbm>>, %arg3: memref<32x16xf32, #tpu.memory_space<hbm>>, %arg4: memref<2576xi32, #tpu.memory_space<vmem>>, %arg5: memref<16xf32, #tpu.memory_space<vmem>>) attributes {dimension_semantics = [#tpu.dimension_semantics<core_parallel>, #tpu.dimension_semantics<subcore_parallel>], iteration_bounds = array<i64: 2, 16>, scalar_prefetch = 0 : i64, scratch_operands = 2 : i64, tpu.core_type = #tpu.core_type<sc_vector_subcore>, window_params = [{transform_indices = #map}, {transform_indices = #map1}]} {
    %mul3A = arith.constant 2 : i32
    %mul3A_0 = arith.muli %arg1, %mul3A : i32
    %add3A = arith.addi %mul3A_0, %arg0 : i32
    %mul3A_1 = arith.constant 2560 : i32
    %mul3A_2 = arith.muli %add3A, %mul3A_1 : i32
    %broadcast_in_dim3A = arith.constant 0 : i32
    %broadcast_in_dim3A_3 = vector.broadcast %broadcast_in_dim3A : i32 to vector<16xi32>
    %swap3A = arith.constant 0 : index
    %swap3A_4 = tpu.vector_load %arg4[%swap3A] {strides = array<i32>} : memref<2576xi32, #tpu.memory_space<vmem>>, vector<16xi32>,
    tpu.vector_store %arg4[%swap3A], %broadcast_in_dim3A_3 {strides = array<i32>} : memref<2576xi32, #tpu.memory_space<vmem>>, vector<16xi32>,
    "tpu.region"() ({
      %run_scoped3A = tpu.sem_alloc : memref<!tpu.dma_semaphore, #tpu.memory_space<semaphore_mem>>
      %dma_start3A = arith.constant 16 : i32
      %dma_start3A_238 = tpu.memref_slice %arg4[%dma_start3A] : memref<2576xi32, #tpu.memory_space<vmem>> -> memref<2560xi32, #tpu.memory_space<vmem>>
      %dma_start3A_239 = tpu.memref_slice %arg2[%mul3A_2] : memref<81920xi32, #tpu.memory_space<hbm>> -> memref<2560xi32, #tpu.memory_space<hbm>>
      %dma_start3A_240 = arith.constant 16 : i32
      %dma_start3A_241 = tpu.memref_slice %arg4[%dma_start3A_240] : memref<2576xi32, #tpu.memory_space<vmem>> -> memref<2560xi32, #tpu.memory_space<vmem>>
      %dma_start3A_242 = tpu.memref_slice %arg2[%mul3A_2] : memref<81920xi32, #tpu.memory_space<hbm>> -> memref<2560xi32, #tpu.memory_space<hbm>>
      tpu.enqueue_dma source(%dma_start3A_242 : memref<2560xi32, #tpu.memory_space<hbm>>) target(%dma_start3A_241 : memref<2560xi32, #tpu.memory_space<vmem>>) target_semaphore(%run_scoped3A : memref<!tpu.dma_semaphore, #tpu.memory_space<semaphore_mem>>)
      %dma_wait3A = arith.constant 16 : i32
      %dma_wait3A_243 = tpu.memref_slice %arg4[%dma_wait3A] : memref<2576xi32, #tpu.memory_space<vmem>> -> memref<2560xi32, #tpu.memory_space<vmem>>
      %dma_wait3A_244 = tpu.memref_slice %arg2[%mul3A_2] : memref<81920xi32, #tpu.memory_space<hbm>> -> memref<2560xi32, #tpu.memory_space<hbm>>
      %dma_wait3A_245 = arith.constant 16 : i32
      %dma_wait3A_246 = tpu.memref_slice %arg4[%dma_wait3A_245] : memref<2576xi32, #tpu.memory_space<vmem>> -> memref<2560xi32, #tpu.memory_space<vmem>>
      %dma_wait3A_247 = tpu.memref_slice %arg2[%mul3A_2] : memref<81920xi32, #tpu.memory_space<hbm>> -> memref<2560xi32, #tpu.memory_space<hbm>>
      tpu.wait_dma2 semaphore(%run_scoped3A : memref<!tpu.dma_semaphore, #tpu.memory_space<semaphore_mem>>) src(%dma_wait3A_247 : memref<2560xi32, #tpu.memory_space<hbm>>) dst(%dma_wait3A_246 : memref<2560xi32, #tpu.memory_space<vmem>>)
      tpu.yield
    }) : () -> ()
    %iota3A = tpu.iota {dimensions = array<i32: 0>} : vector<16xi32>
    %broadcast_in_dim3A_5 = arith.constant 0.000000e+00 : f32
    %broadcast_in_dim3A_6 = vector.broadcast %broadcast_in_dim3A_5 : f32 to vector<16xf32>
    %broadcast_in_dim3A_7 = arith.constant 0 : i32
    %broadcast_in_dim3A_8 = vector.broadcast %broadcast_in_dim3A_7 : i32 to vector<16xi32>
    %mul3A_9 = arith.constant 0 : i32
    %mul3A_10 = vector.broadcast %mul3A_9 : i32 to vector<16xi32>
    %mul3A_11 = arith.muli %iota3A, %mul3A_10 : vector<16xi32>
    %add3A_12 = arith.constant 15 : i32
    %add3A_13 = vector.broadcast %add3A_12 : i32 to vector<16xi32>
    %add3A_14 = arith.addi %mul3A_11, %add3A_13 : vector<16xi32>
    %sub3A = arith.constant 1 : i32
    %sub3A_15 = vector.broadcast %sub3A : i32 to vector<16xi32>
    %sub3A_16 = arith.subi %broadcast_in_dim3A_8, %sub3A_15 : vector<16xi32>
    %sub3A_17 = arith.constant 1 : i32
    %sub3A_18 = vector.broadcast %sub3A_17 : i32 to vector<16xi32>
    %sub3A_19 = arith.subi %broadcast_in_dim3A_8, %sub3A_18 : vector<16xi32>
    %sub3A_20 = arith.constant 1 : i32
    %sub3A_21 = vector.broadcast %sub3A_20 : i32 to vector<16xi32>
    %sub3A_22 = arith.subi %broadcast_in_dim3A_8, %sub3A_21 : vector<16xi32>
    %sub3A_23 = arith.constant 1 : i32
    %sub3A_24 = vector.broadcast %sub3A_23 : i32 to vector<16xi32>
    %sub3A_25 = arith.subi %broadcast_in_dim3A_8, %sub3A_24 : vector<16xi32>
    %sub3A_26 = arith.constant 1 : i32
    %sub3A_27 = vector.broadcast %sub3A_26 : i32 to vector<16xi32>
    %sub3A_28 = arith.subi %broadcast_in_dim3A_8, %sub3A_27 : vector<16xi32>
    %scan3A = arith.constant 0 : i32
    %scan3A_29 = arith.constant 32 : i32
    %scan3A_30 = arith.addi %scan3A, %scan3A_29 : i32
    %scan3A_31 = arith.constant 1 : i32
    %scan3A_32:12 = scf.for %scan3A_238 = %scan3A to %scan3A_30 step %scan3A_31 iter_args(%scan3A_239 = %broadcast_in_dim3A_8, %scan3A_240 = %broadcast_in_dim3A_8, %scan3A_241 = %broadcast_in_dim3A_8, %scan3A_242 = %broadcast_in_dim3A_8, %scan3A_243 = %broadcast_in_dim3A_8, %scan3A_244 = %sub3A_16, %scan3A_245 = %sub3A_19, %scan3A_246 = %sub3A_22, %scan3A_247 = %sub3A_25, %scan3A_248 = %sub3A_28, %scan3A_249 = %broadcast_in_dim3A_6, %scan3A_250 = %broadcast_in_dim3A_6) -> (vector<16xi32>, vector<16xi32>, vector<16xi32>, vector<16xi32>, vector<16xi32>, vector<16xi32>, vector<16xi32>, vector<16xi32>, vector<16xi32>, vector<16xi32>, vector<16xf32>, vector<16xf32>)  : i32 {
      %mul3A_251 = arith.constant 16 : i32
      %mul3A_252 = arith.muli %scan3A_238, %mul3A_251 : i32
      %add3A_253 = vector.broadcast %mul3A_252 : i32 to vector<16xi32>
      %add3A_254 = arith.addi %add3A_253, %iota3A : vector<16xi32>
      %ge3A_255 = arith.constant 1 : i32
      %ge3A_256 = vector.broadcast %ge3A_255 : i32 to vector<16xi32>
      %ge3A_257 = arith.cmpi sge, %add3A_254, %ge3A_256 : vector<16xi32>
      %add3A_258 = arith.constant 0 : i32
      %add3A_259 = arith.addi %add3A_258, %mul3A_252 : i32
      %add3A_260 = arith.constant 16 : i32
      %add3A_261 = arith.addi %add3A_259, %add3A_260 : i32
      %get3A_262 = arith.index_cast %add3A_261 : i32 to index
      %get3A_263 = tpu.vector_load %arg4[%get3A_262] {strides = array<i32>} : memref<2576xi32, #tpu.memory_space<vmem>>, vector<16xi32>,
      %add3A_264 = arith.constant 15 : i32
      %add3A_265 = arith.addi %add3A_259, %add3A_264 : i32
      %add3A_266 = vector.broadcast %add3A_265 : i32 to vector<16xi32>
      %add3A_267 = arith.addi %add3A_266, %iota3A : vector<16xi32>
      %gather3A_268 = tpu.vector_load_idx %arg4[%add3A_267] : memref<2576xi32, #tpu.memory_space<vmem>>[vector<16xi32>], vector<16xi32>,
      %gt3A_269 = arith.constant 0 : i32
      %gt3A_270 = vector.broadcast %gt3A_269 : i32 to vector<16xi32>
      %gt3A_271 = arith.cmpi sgt, %get3A_263, %gt3A_270 : vector<16xi32>
      %gt3A_272 = arith.constant 0 : i32
      %gt3A_273 = vector.broadcast %gt3A_272 : i32 to vector<16xi32>
      %gt3A_274 = arith.cmpi sgt, %gather3A_268, %gt3A_273 : vector<16xi32>
      %and3A_275 = arith.andi %ge3A_257, %gt3A_274 : vector<16xi1>
      %broadcast_in_dim3A_276 = arith.constant true
      %broadcast_in_dim3A_277 = vector.broadcast %broadcast_in_dim3A_276 : i1 to vector<16xi1>
      %masked_cumsum3A = tpu.scan <sum>, %get3A_263 masked %broadcast_in_dim3A_277 : vector<16xi32>, vector<16xi1> -> vector<16xi32>
      %add3A_278 = arith.addi %masked_cumsum3A, %scan3A_239 : vector<16xi32>
      %sub3A_279 = arith.subi %add3A_278, %get3A_263 : vector<16xi32>
      %not3A = arith.constant dense<true> : vector<16xi1>
      %not3A_280 = arith.xori %and3A_275, %not3A : vector<16xi1>
      %and3A_281 = arith.andi %gt3A_271, %not3A_280 : vector<16xi1>
      %not3A_282 = arith.constant dense<true> : vector<16xi1>
      %not3A_283 = arith.xori %gt3A_271, %not3A_282 : vector<16xi1>
      %and3A_284 = arith.andi %and3A_275, %not3A_283 : vector<16xi1>
      %jit3A_285 = arith.constant -1 : i32
      %broadcast_in_dim3A_286 = vector.broadcast %jit3A_285 : i32 to vector<16xi32>
      %select_n3A_287 = arith.select %and3A_281, %sub3A_279, %broadcast_in_dim3A_286 : vector<16xi1>, vector<16xi32>
      %broadcast_in_dim3A_288 = arith.constant true
      %broadcast_in_dim3A_289 = vector.broadcast %broadcast_in_dim3A_288 : i1 to vector<16xi1>
      %masked_cummax3A = arith.constant -2147483648 : i32
      %masked_cummax3A_290 = vector.broadcast %masked_cummax3A : i32 to vector<16xi32>
      %masked_cummax3A_291 = arith.xori %select_n3A_287, %masked_cummax3A_290 : vector<16xi32>
      %masked_cummax3A_292 = tpu.scan <max>, %masked_cummax3A_291 masked %broadcast_in_dim3A_289 : vector<16xi32>, vector<16xi1> -> vector<16xi32>
      %masked_cummax3A_293 = arith.xori %masked_cummax3A_292, %masked_cummax3A_290 : vector<16xi32>
      %max3A = arith.maxsi %masked_cummax3A_293, %scan3A_244 : vector<16xi32>
      %sub3A_294 = arith.subi %add3A_278, %max3A : vector<16xi32>
      %shift_right_logical3A_295 = arith.constant 10 : i32
      %shift_right_logical3A_296 = vector.broadcast %shift_right_logical3A_295 : i32 to vector<16xi32>
      %shift_right_logical3A_297 = arith.shrui %sub3A_294, %shift_right_logical3A_296 : vector<16xi32>
      %and3A_298 = arith.constant 1023 : i32
      %and3A_299 = vector.broadcast %and3A_298 : i32 to vector<16xi32>
      %and3A_300 = arith.andi %sub3A_294, %and3A_299 : vector<16xi32>
      %convert_element_type3A_301 = arith.sitofp %shift_right_logical3A_297 : vector<16xi32> to vector<16xf32>
      %convert_element_type3A_302 = arith.sitofp %and3A_300 : vector<16xi32> to vector<16xf32>
      %add3A_303 = arith.constant 1.000000e-07 : f32
      %add3A_304 = vector.broadcast %add3A_303 : f32 to vector<16xf32>
      %add3A_305 = arith.addf %convert_element_type3A_302, %add3A_304 : vector<16xf32>
      %div3A_306 = arith.divf %convert_element_type3A_301, %add3A_305 : vector<16xf32>
      %ge3A_307 = arith.constant 0.699999988 : f32
      %ge3A_308 = vector.broadcast %ge3A_307 : f32 to vector<16xf32>
      %ge3A_309 = arith.cmpf oge, %div3A_306, %ge3A_308 : vector<16xf32>
      %lt3A_310 = arith.constant 1.42857146 : f32
      %lt3A_311 = vector.broadcast %lt3A_310 : f32 to vector<16xf32>
      %lt3A_312 = arith.cmpf olt, %div3A_306, %lt3A_311 : vector<16xf32>
      %and3A_313 = arith.andi %ge3A_309, %lt3A_312 : vector<16xi1>
      %and3A_314 = arith.andi %and3A_284, %and3A_313 : vector<16xi1>
      %jit3A_315 = arith.constant 1.000000e+00 : f32
      %jit3A_316 = arith.constant 0.000000e+00 : f32
      %broadcast_in_dim3A_317 = vector.broadcast %jit3A_315 : f32 to vector<16xf32>
      %broadcast_in_dim3A_318 = vector.broadcast %jit3A_316 : f32 to vector<16xf32>
      %select_n3A_319 = arith.select %and3A_314, %broadcast_in_dim3A_317, %broadcast_in_dim3A_318 : vector<16xi1>, vector<16xf32>
      %add3A_320 = arith.addf %scan3A_249, %select_n3A_319 : vector<16xf32>
      %jit3A_321 = arith.constant 1.000000e+00 : f32
      %jit3A_322 = arith.constant 0.000000e+00 : f32
      %broadcast_in_dim3A_323 = vector.broadcast %jit3A_321 : f32 to vector<16xf32>
      %broadcast_in_dim3A_324 = vector.broadcast %jit3A_322 : f32 to vector<16xf32>
      %select_n3A_325 = arith.select %and3A_281, %broadcast_in_dim3A_323, %broadcast_in_dim3A_324 : vector<16xi1>, vector<16xf32>
      %add3A_326 = arith.addf %scan3A_250, %select_n3A_325 : vector<16xf32>
      %broadcast_in_dim3A_327 = vector.shape_cast %add3A_14 : vector<16xi32> to vector<16x1xi32>
      %gather3A_328 = vector.shape_cast %broadcast_in_dim3A_327 : vector<16x1xi32> to vector<16xi32>
      %gather3A_329 = tpu.dynamic_gather %add3A_278[%gather3A_328] in [0] : vector<16xi32>, vector<16xi32> -> vector<16xi32>
      %broadcast_in_dim3A_330 = vector.shape_cast %add3A_14 : vector<16xi32> to vector<16x1xi32>
      %gather3A_331 = vector.shape_cast %broadcast_in_dim3A_330 : vector<16x1xi32> to vector<16xi32>
      %gather3A_332 = tpu.dynamic_gather %max3A[%gather3A_331] in [0] : vector<16xi32>, vector<16xi32> -> vector<16xi32>
      %add3A_333 = arith.constant 512 : i32
      %add3A_334 = arith.addi %add3A_333, %mul3A_252 : i32
      %add3A_335 = arith.constant 16 : i32
      %add3A_336 = arith.addi %add3A_334, %add3A_335 : i32
      %get3A_337 = arith.index_cast %add3A_336 : i32 to index
      %get3A_338 = tpu.vector_load %arg4[%get3A_337] {strides = array<i32>} : memref<2576xi32, #tpu.memory_space<vmem>>, vector<16xi32>,
      %add3A_339 = arith.constant 15 : i32
      %add3A_340 = arith.addi %add3A_334, %add3A_339 : i32
      %add3A_341 = vector.broadcast %add3A_340 : i32 to vector<16xi32>
      %add3A_342 = arith.addi %add3A_341, %iota3A : vector<16xi32>
      %gather3A_343 = tpu.vector_load_idx %arg4[%add3A_342] : memref<2576xi32, #tpu.memory_space<vmem>>[vector<16xi32>], vector<16xi32>,
      %gt3A_344 = arith.constant 0 : i32
      %gt3A_345 = vector.broadcast %gt3A_344 : i32 to vector<16xi32>
      %gt3A_346 = arith.cmpi sgt, %get3A_338, %gt3A_345 : vector<16xi32>
      %gt3A_347 = arith.constant 0 : i32
      %gt3A_348 = vector.broadcast %gt3A_347 : i32 to vector<16xi32>
      %gt3A_349 = arith.cmpi sgt, %gather3A_343, %gt3A_348 : vector<16xi32>
      %and3A_350 = arith.andi %ge3A_257, %gt3A_349 : vector<16xi1>
      %broadcast_in_dim3A_351 = arith.constant true
      %broadcast_in_dim3A_352 = vector.broadcast %broadcast_in_dim3A_351 : i1 to vector<16xi1>
      %masked_cumsum3A_353 = tpu.scan <sum>, %get3A_338 masked %broadcast_in_dim3A_352 : vector<16xi32>, vector<16xi1> -> vector<16xi32>
      %add3A_354 = arith.addi %masked_cumsum3A_353, %scan3A_240 : vector<16xi32>
      %sub3A_355 = arith.subi %add3A_354, %get3A_338 : vector<16xi32>
      %not3A_356 = arith.constant dense<true> : vector<16xi1>
      %not3A_357 = arith.xori %and3A_350, %not3A_356 : vector<16xi1>
      %and3A_358 = arith.andi %gt3A_346, %not3A_357 : vector<16xi1>
      %not3A_359 = arith.constant dense<true> : vector<16xi1>
      %not3A_360 = arith.xori %gt3A_346, %not3A_359 : vector<16xi1>
      %and3A_361 = arith.andi %and3A_350, %not3A_360 : vector<16xi1>
      %jit3A_362 = arith.constant -1 : i32
      %broadcast_in_dim3A_363 = vector.broadcast %jit3A_362 : i32 to vector<16xi32>
      %select_n3A_364 = arith.select %and3A_358, %sub3A_355, %broadcast_in_dim3A_363 : vector<16xi1>, vector<16xi32>
      %broadcast_in_dim3A_365 = arith.constant true
      %broadcast_in_dim3A_366 = vector.broadcast %broadcast_in_dim3A_365 : i1 to vector<16xi1>
      %masked_cummax3A_367 = arith.constant -2147483648 : i32
      %masked_cummax3A_368 = vector.broadcast %masked_cummax3A_367 : i32 to vector<16xi32>
      %masked_cummax3A_369 = arith.xori %select_n3A_364, %masked_cummax3A_368 : vector<16xi32>
      %masked_cummax3A_370 = tpu.scan <max>, %masked_cummax3A_369 masked %broadcast_in_dim3A_366 : vector<16xi32>, vector<16xi1> -> vector<16xi32>
      %masked_cummax3A_371 = arith.xori %masked_cummax3A_370, %masked_cummax3A_368 : vector<16xi32>
      %max3A_372 = arith.maxsi %masked_cummax3A_371, %scan3A_245 : vector<16xi32>
      %sub3A_373 = arith.subi %add3A_354, %max3A_372 : vector<16xi32>
      %shift_right_logical3A_374 = arith.constant 10 : i32
      %shift_right_logical3A_375 = vector.broadcast %shift_right_logical3A_374 : i32 to vector<16xi32>
      %shift_right_logical3A_376 = arith.shrui %sub3A_373, %shift_right_logical3A_375 : vector<16xi32>
      %and3A_377 = arith.constant 1023 : i32
      %and3A_378 = vector.broadcast %and3A_377 : i32 to vector<16xi32>
      %and3A_379 = arith.andi %sub3A_373, %and3A_378 : vector<16xi32>
      %convert_element_type3A_380 = arith.sitofp %shift_right_logical3A_376 : vector<16xi32> to vector<16xf32>
      %convert_element_type3A_381 = arith.sitofp %and3A_379 : vector<16xi32> to vector<16xf32>
      %add3A_382 = arith.constant 1.000000e-07 : f32
      %add3A_383 = vector.broadcast %add3A_382 : f32 to vector<16xf32>
      %add3A_384 = arith.addf %convert_element_type3A_381, %add3A_383 : vector<16xf32>
      %div3A_385 = arith.divf %convert_element_type3A_380, %add3A_384 : vector<16xf32>
      %ge3A_386 = arith.constant 0.699999988 : f32
      %ge3A_387 = vector.broadcast %ge3A_386 : f32 to vector<16xf32>
      %ge3A_388 = arith.cmpf oge, %div3A_385, %ge3A_387 : vector<16xf32>
      %lt3A_389 = arith.constant 1.42857146 : f32
      %lt3A_390 = vector.broadcast %lt3A_389 : f32 to vector<16xf32>
      %lt3A_391 = arith.cmpf olt, %div3A_385, %lt3A_390 : vector<16xf32>
      %and3A_392 = arith.andi %ge3A_388, %lt3A_391 : vector<16xi1>
      %and3A_393 = arith.andi %and3A_361, %and3A_392 : vector<16xi1>
      %jit3A_394 = arith.constant 1.000000e+00 : f32
      %jit3A_395 = arith.constant 0.000000e+00 : f32
      %broadcast_in_dim3A_396 = vector.broadcast %jit3A_394 : f32 to vector<16xf32>
      %broadcast_in_dim3A_397 = vector.broadcast %jit3A_395 : f32 to vector<16xf32>
      %select_n3A_398 = arith.select %and3A_393, %broadcast_in_dim3A_396, %broadcast_in_dim3A_397 : vector<16xi1>, vector<16xf32>
      %add3A_399 = arith.addf %add3A_320, %select_n3A_398 : vector<16xf32>
      %jit3A_400 = arith.constant 1.000000e+00 : f32
      %jit3A_401 = arith.constant 0.000000e+00 : f32
      %broadcast_in_dim3A_402 = vector.broadcast %jit3A_400 : f32 to vector<16xf32>
      %broadcast_in_dim3A_403 = vector.broadcast %jit3A_401 : f32 to vector<16xf32>
      %select_n3A_404 = arith.select %and3A_358, %broadcast_in_dim3A_402, %broadcast_in_dim3A_403 : vector<16xi1>, vector<16xf32>
      %add3A_405 = arith.addf %add3A_326, %select_n3A_404 : vector<16xf32>
      %broadcast_in_dim3A_406 = vector.shape_cast %add3A_14 : vector<16xi32> to vector<16x1xi32>
      %gather3A_407 = vector.shape_cast %broadcast_in_dim3A_406 : vector<16x1xi32> to vector<16xi32>
      %gather3A_408 = tpu.dynamic_gather %add3A_354[%gather3A_407] in [0] : vector<16xi32>, vector<16xi32> -> vector<16xi32>
      %broadcast_in_dim3A_409 = vector.shape_cast %add3A_14 : vector<16xi32> to vector<16x1xi32>
      %gather3A_410 = vector.shape_cast %broadcast_in_dim3A_409 : vector<16x1xi32> to vector<16xi32>
      %gather3A_411 = tpu.dynamic_gather %max3A_372[%gather3A_410] in [0] : vector<16xi32>, vector<16xi32> -> vector<16xi32>
      %add3A_412 = arith.constant 1024 : i32
      %add3A_413 = arith.addi %add3A_412, %mul3A_252 : i32
      %add3A_414 = arith.constant 16 : i32
      %add3A_415 = arith.addi %add3A_413, %add3A_414 : i32
      %get3A_416 = arith.index_cast %add3A_415 : i32 to index
      %get3A_417 = tpu.vector_load %arg4[%get3A_416] {strides = array<i32>} : memref<2576xi32, #tpu.memory_space<vmem>>, vector<16xi32>,
      %add3A_418 = arith.constant 15 : i32
      %add3A_419 = arith.addi %add3A_413, %add3A_418 : i32
      %add3A_420 = vector.broadcast %add3A_419 : i32 to vector<16xi32>
      %add3A_421 = arith.addi %add3A_420, %iota3A : vector<16xi32>
      %gather3A_422 = tpu.vector_load_idx %arg4[%add3A_421] : memref<2576xi32, #tpu.memory_space<vmem>>[vector<16xi32>], vector<16xi32>,
      %gt3A_423 = arith.constant 0 : i32
      %gt3A_424 = vector.broadcast %gt3A_423 : i32 to vector<16xi32>
      %gt3A_425 = arith.cmpi sgt, %get3A_417, %gt3A_424 : vector<16xi32>
      %gt3A_426 = arith.constant 0 : i32
      %gt3A_427 = vector.broadcast %gt3A_426 : i32 to vector<16xi32>
      %gt3A_428 = arith.cmpi sgt, %gather3A_422, %gt3A_427 : vector<16xi32>
      %and3A_429 = arith.andi %ge3A_257, %gt3A_428 : vector<16xi1>
      %broadcast_in_dim3A_430 = arith.constant true
      %broadcast_in_dim3A_431 = vector.broadcast %broadcast_in_dim3A_430 : i1 to vector<16xi1>
      %masked_cumsum3A_432 = tpu.scan <sum>, %get3A_417 masked %broadcast_in_dim3A_431 : vector<16xi32>, vector<16xi1> -> vector<16xi32>
      %add3A_433 = arith.addi %masked_cumsum3A_432, %scan3A_241 : vector<16xi32>
      %sub3A_434 = arith.subi %add3A_433, %get3A_417 : vector<16xi32>
      %not3A_435 = arith.constant dense<true> : vector<16xi1>
      %not3A_436 = arith.xori %and3A_429, %not3A_435 : vector<16xi1>
      %and3A_437 = arith.andi %gt3A_425, %not3A_436 : vector<16xi1>
      %not3A_438 = arith.constant dense<true> : vector<16xi1>
      %not3A_439 = arith.xori %gt3A_425, %not3A_438 : vector<16xi1>
      %and3A_440 = arith.andi %and3A_429, %not3A_439 : vector<16xi1>
      %jit3A_441 = arith.constant -1 : i32
      %broadcast_in_dim3A_442 = vector.broadcast %jit3A_441 : i32 to vector<16xi32>
      %select_n3A_443 = arith.select %and3A_437, %sub3A_434, %broadcast_in_dim3A_442 : vector<16xi1>, vector<16xi32>
      %broadcast_in_dim3A_444 = arith.constant true
      %broadcast_in_dim3A_445 = vector.broadcast %broadcast_in_dim3A_444 : i1 to vector<16xi1>
      %masked_cummax3A_446 = arith.constant -2147483648 : i32
      %masked_cummax3A_447 = vector.broadcast %masked_cummax3A_446 : i32 to vector<16xi32>
      %masked_cummax3A_448 = arith.xori %select_n3A_443, %masked_cummax3A_447 : vector<16xi32>
      %masked_cummax3A_449 = tpu.scan <max>, %masked_cummax3A_448 masked %broadcast_in_dim3A_445 : vector<16xi32>, vector<16xi1> -> vector<16xi32>
      %masked_cummax3A_450 = arith.xori %masked_cummax3A_449, %masked_cummax3A_447 : vector<16xi32>
      %max3A_451 = arith.maxsi %masked_cummax3A_450, %scan3A_246 : vector<16xi32>
      %sub3A_452 = arith.subi %add3A_433, %max3A_451 : vector<16xi32>
      %shift_right_logical3A_453 = arith.constant 10 : i32
      %shift_right_logical3A_454 = vector.broadcast %shift_right_logical3A_453 : i32 to vector<16xi32>
      %shift_right_logical3A_455 = arith.shrui %sub3A_452, %shift_right_logical3A_454 : vector<16xi32>
      %and3A_456 = arith.constant 1023 : i32
      %and3A_457 = vector.broadcast %and3A_456 : i32 to vector<16xi32>
      %and3A_458 = arith.andi %sub3A_452, %and3A_457 : vector<16xi32>
      %convert_element_type3A_459 = arith.sitofp %shift_right_logical3A_455 : vector<16xi32> to vector<16xf32>
      %convert_element_type3A_460 = arith.sitofp %and3A_458 : vector<16xi32> to vector<16xf32>
      %add3A_461 = arith.constant 1.000000e-07 : f32
      %add3A_462 = vector.broadcast %add3A_461 : f32 to vector<16xf32>
      %add3A_463 = arith.addf %convert_element_type3A_460, %add3A_462 : vector<16xf32>
      %div3A_464 = arith.divf %convert_element_type3A_459, %add3A_463 : vector<16xf32>
      %ge3A_465 = arith.constant 0.699999988 : f32
      %ge3A_466 = vector.broadcast %ge3A_465 : f32 to vector<16xf32>
      %ge3A_467 = arith.cmpf oge, %div3A_464, %ge3A_466 : vector<16xf32>
      %lt3A_468 = arith.constant 1.42857146 : f32
      %lt3A_469 = vector.broadcast %lt3A_468 : f32 to vector<16xf32>
      %lt3A_470 = arith.cmpf olt, %div3A_464, %lt3A_469 : vector<16xf32>
      %and3A_471 = arith.andi %ge3A_467, %lt3A_470 : vector<16xi1>
      %and3A_472 = arith.andi %and3A_440, %and3A_471 : vector<16xi1>
      %jit3A_473 = arith.constant 1.000000e+00 : f32
      %jit3A_474 = arith.constant 0.000000e+00 : f32
      %broadcast_in_dim3A_475 = vector.broadcast %jit3A_473 : f32 to vector<16xf32>
      %broadcast_in_dim3A_476 = vector.broadcast %jit3A_474 : f32 to vector<16xf32>
      %select_n3A_477 = arith.select %and3A_472, %broadcast_in_dim3A_475, %broadcast_in_dim3A_476 : vector<16xi1>, vector<16xf32>
      %add3A_478 = arith.addf %add3A_399, %select_n3A_477 : vector<16xf32>
      %jit3A_479 = arith.constant 1.000000e+00 : f32
      %jit3A_480 = arith.constant 0.000000e+00 : f32
      %broadcast_in_dim3A_481 = vector.broadcast %jit3A_479 : f32 to vector<16xf32>
      %broadcast_in_dim3A_482 = vector.broadcast %jit3A_480 : f32 to vector<16xf32>
      %select_n3A_483 = arith.select %and3A_437, %broadcast_in_dim3A_481, %broadcast_in_dim3A_482 : vector<16xi1>, vector<16xf32>
      %add3A_484 = arith.addf %add3A_405, %select_n3A_483 : vector<16xf32>
      %broadcast_in_dim3A_485 = vector.shape_cast %add3A_14 : vector<16xi32> to vector<16x1xi32>
      %gather3A_486 = vector.shape_cast %broadcast_in_dim3A_485 : vector<16x1xi32> to vector<16xi32>
      %gather3A_487 = tpu.dynamic_gather %add3A_433[%gather3A_486] in [0] : vector<16xi32>, vector<16xi32> -> vector<16xi32>
      %broadcast_in_dim3A_488 = vector.shape_cast %add3A_14 : vector<16xi32> to vector<16x1xi32>
      %gather3A_489 = vector.shape_cast %broadcast_in_dim3A_488 : vector<16x1xi32> to vector<16xi32>
      %gather3A_490 = tpu.dynamic_gather %max3A_451[%gather3A_489] in [0] : vector<16xi32>, vector<16xi32> -> vector<16xi32>
      %add3A_491 = arith.constant 1536 : i32
      %add3A_492 = arith.addi %add3A_491, %mul3A_252 : i32
      %add3A_493 = arith.constant 16 : i32
      %add3A_494 = arith.addi %add3A_492, %add3A_493 : i32
      %get3A_495 = arith.index_cast %add3A_494 : i32 to index
      %get3A_496 = tpu.vector_load %arg4[%get3A_495] {strides = array<i32>} : memref<2576xi32, #tpu.memory_space<vmem>>, vector<16xi32>,
      %add3A_497 = arith.constant 15 : i32
      %add3A_498 = arith.addi %add3A_492, %add3A_497 : i32
      %add3A_499 = vector.broadcast %add3A_498 : i32 to vector<16xi32>
      %add3A_500 = arith.addi %add3A_499, %iota3A : vector<16xi32>
      %gather3A_501 = tpu.vector_load_idx %arg4[%add3A_500] : memref<2576xi32, #tpu.memory_space<vmem>>[vector<16xi32>], vector<16xi32>,
      %gt3A_502 = arith.constant 0 : i32
      %gt3A_503 = vector.broadcast %gt3A_502 : i32 to vector<16xi32>
      %gt3A_504 = arith.cmpi sgt, %get3A_496, %gt3A_503 : vector<16xi32>
      %gt3A_505 = arith.constant 0 : i32
      %gt3A_506 = vector.broadcast %gt3A_505 : i32 to vector<16xi32>
      %gt3A_507 = arith.cmpi sgt, %gather3A_501, %gt3A_506 : vector<16xi32>
      %and3A_508 = arith.andi %ge3A_257, %gt3A_507 : vector<16xi1>
      %broadcast_in_dim3A_509 = arith.constant true
      %broadcast_in_dim3A_510 = vector.broadcast %broadcast_in_dim3A_509 : i1 to vector<16xi1>
      %masked_cumsum3A_511 = tpu.scan <sum>, %get3A_496 masked %broadcast_in_dim3A_510 : vector<16xi32>, vector<16xi1> -> vector<16xi32>
      %add3A_512 = arith.addi %masked_cumsum3A_511, %scan3A_242 : vector<16xi32>
      %sub3A_513 = arith.subi %add3A_512, %get3A_496 : vector<16xi32>
      %not3A_514 = arith.constant dense<true> : vector<16xi1>
      %not3A_515 = arith.xori %and3A_508, %not3A_514 : vector<16xi1>
      %and3A_516 = arith.andi %gt3A_504, %not3A_515 : vector<16xi1>
      %not3A_517 = arith.constant dense<true> : vector<16xi1>
      %not3A_518 = arith.xori %gt3A_504, %not3A_517 : vector<16xi1>
      %and3A_519 = arith.andi %and3A_508, %not3A_518 : vector<16xi1>
      %jit3A_520 = arith.constant -1 : i32
      %broadcast_in_dim3A_521 = vector.broadcast %jit3A_520 : i32 to vector<16xi32>
      %select_n3A_522 = arith.select %and3A_516, %sub3A_513, %broadcast_in_dim3A_521 : vector<16xi1>, vector<16xi32>
      %broadcast_in_dim3A_523 = arith.constant true
      %broadcast_in_dim3A_524 = vector.broadcast %broadcast_in_dim3A_523 : i1 to vector<16xi1>
      %masked_cummax3A_525 = arith.constant -2147483648 : i32
      %masked_cummax3A_526 = vector.broadcast %masked_cummax3A_525 : i32 to vector<16xi32>
      %masked_cummax3A_527 = arith.xori %select_n3A_522, %masked_cummax3A_526 : vector<16xi32>
      %masked_cummax3A_528 = tpu.scan <max>, %masked_cummax3A_527 masked %broadcast_in_dim3A_524 : vector<16xi32>, vector<16xi1> -> vector<16xi32>
      %masked_cummax3A_529 = arith.xori %masked_cummax3A_528, %masked_cummax3A_526 : vector<16xi32>
      %max3A_530 = arith.maxsi %masked_cummax3A_529, %scan3A_247 : vector<16xi32>
      %sub3A_531 = arith.subi %add3A_512, %max3A_530 : vector<16xi32>
      %shift_right_logical3A_532 = arith.constant 10 : i32
      %shift_right_logical3A_533 = vector.broadcast %shift_right_logical3A_532 : i32 to vector<16xi32>
      %shift_right_logical3A_534 = arith.shrui %sub3A_531, %shift_right_logical3A_533 : vector<16xi32>
      %and3A_535 = arith.constant 1023 : i32
      %and3A_536 = vector.broadcast %and3A_535 : i32 to vector<16xi32>
      %and3A_537 = arith.andi %sub3A_531, %and3A_536 : vector<16xi32>
      %convert_element_type3A_538 = arith.sitofp %shift_right_logical3A_534 : vector<16xi32> to vector<16xf32>
      %convert_element_type3A_539 = arith.sitofp %and3A_537 : vector<16xi32> to vector<16xf32>
      %add3A_540 = arith.constant 1.000000e-07 : f32
      %add3A_541 = vector.broadcast %add3A_540 : f32 to vector<16xf32>
      %add3A_542 = arith.addf %convert_element_type3A_539, %add3A_541 : vector<16xf32>
      %div3A_543 = arith.divf %convert_element_type3A_538, %add3A_542 : vector<16xf32>
      %ge3A_544 = arith.constant 0.699999988 : f32
      %ge3A_545 = vector.broadcast %ge3A_544 : f32 to vector<16xf32>
      %ge3A_546 = arith.cmpf oge, %div3A_543, %ge3A_545 : vector<16xf32>
      %lt3A_547 = arith.constant 1.42857146 : f32
      %lt3A_548 = vector.broadcast %lt3A_547 : f32 to vector<16xf32>
      %lt3A_549 = arith.cmpf olt, %div3A_543, %lt3A_548 : vector<16xf32>
      %and3A_550 = arith.andi %ge3A_546, %lt3A_549 : vector<16xi1>
      %and3A_551 = arith.andi %and3A_519, %and3A_550 : vector<16xi1>
      %jit3A_552 = arith.constant 1.000000e+00 : f32
      %jit3A_553 = arith.constant 0.000000e+00 : f32
      %broadcast_in_dim3A_554 = vector.broadcast %jit3A_552 : f32 to vector<16xf32>
      %broadcast_in_dim3A_555 = vector.broadcast %jit3A_553 : f32 to vector<16xf32>
      %select_n3A_556 = arith.select %and3A_551, %broadcast_in_dim3A_554, %broadcast_in_dim3A_555 : vector<16xi1>, vector<16xf32>
      %add3A_557 = arith.addf %add3A_478, %select_n3A_556 : vector<16xf32>
      %jit3A_558 = arith.constant 1.000000e+00 : f32
      %jit3A_559 = arith.constant 0.000000e+00 : f32
      %broadcast_in_dim3A_560 = vector.broadcast %jit3A_558 : f32 to vector<16xf32>
      %broadcast_in_dim3A_561 = vector.broadcast %jit3A_559 : f32 to vector<16xf32>
      %select_n3A_562 = arith.select %and3A_516, %broadcast_in_dim3A_560, %broadcast_in_dim3A_561 : vector<16xi1>, vector<16xf32>
      %add3A_563 = arith.addf %add3A_484, %select_n3A_562 : vector<16xf32>
      %broadcast_in_dim3A_564 = vector.shape_cast %add3A_14 : vector<16xi32> to vector<16x1xi32>
      %gather3A_565 = vector.shape_cast %broadcast_in_dim3A_564 : vector<16x1xi32> to vector<16xi32>
      %gather3A_566 = tpu.dynamic_gather %add3A_512[%gather3A_565] in [0] : vector<16xi32>, vector<16xi32> -> vector<16xi32>
      %broadcast_in_dim3A_567 = vector.shape_cast %add3A_14 : vector<16xi32> to vector<16x1xi32>
      %gather3A_568 = vector.shape_cast %broadcast_in_dim3A_567 : vector<16x1xi32> to vector<16xi32>
      %gather3A_569 = tpu.dynamic_gather %max3A_530[%gather3A_568] in [0] : vector<16xi32>, vector<16xi32> -> vector<16xi32>
      %add3A_570 = arith.constant 2048 : i32
      %add3A_571 = arith.addi %add3A_570, %mul3A_252 : i32
      %add3A_572 = arith.constant 16 : i32
      %add3A_573 = arith.addi %add3A_571, %add3A_572 : i32
      %get3A_574 = arith.index_cast %add3A_573 : i32 to index
      %get3A_575 = tpu.vector_load %arg4[%get3A_574] {strides = array<i32>} : memref<2576xi32, #tpu.memory_space<vmem>>, vector<16xi32>,
      %add3A_576 = arith.constant 15 : i32
      %add3A_577 = arith.addi %add3A_571, %add3A_576 : i32
      %add3A_578 = vector.broadcast %add3A_577 : i32 to vector<16xi32>
      %add3A_579 = arith.addi %add3A_578, %iota3A : vector<16xi32>
      %gather3A_580 = tpu.vector_load_idx %arg4[%add3A_579] : memref<2576xi32, #tpu.memory_space<vmem>>[vector<16xi32>], vector<16xi32>,
      %gt3A_581 = arith.constant 0 : i32
      %gt3A_582 = vector.broadcast %gt3A_581 : i32 to vector<16xi32>
      %gt3A_583 = arith.cmpi sgt, %get3A_575, %gt3A_582 : vector<16xi32>
      %gt3A_584 = arith.constant 0 : i32
      %gt3A_585 = vector.broadcast %gt3A_584 : i32 to vector<16xi32>
      %gt3A_586 = arith.cmpi sgt, %gather3A_580, %gt3A_585 : vector<16xi32>
      %and3A_587 = arith.andi %ge3A_257, %gt3A_586 : vector<16xi1>
      %broadcast_in_dim3A_588 = arith.constant true
      %broadcast_in_dim3A_589 = vector.broadcast %broadcast_in_dim3A_588 : i1 to vector<16xi1>
      %masked_cumsum3A_590 = tpu.scan <sum>, %get3A_575 masked %broadcast_in_dim3A_589 : vector<16xi32>, vector<16xi1> -> vector<16xi32>
      %add3A_591 = arith.addi %masked_cumsum3A_590, %scan3A_243 : vector<16xi32>
      %sub3A_592 = arith.subi %add3A_591, %get3A_575 : vector<16xi32>
      %not3A_593 = arith.constant dense<true> : vector<16xi1>
      %not3A_594 = arith.xori %and3A_587, %not3A_593 : vector<16xi1>
      %and3A_595 = arith.andi %gt3A_583, %not3A_594 : vector<16xi1>
      %not3A_596 = arith.constant dense<true> : vector<16xi1>
      %not3A_597 = arith.xori %gt3A_583, %not3A_596 : vector<16xi1>
      %and3A_598 = arith.andi %and3A_587, %not3A_597 : vector<16xi1>
      %jit3A_599 = arith.constant -1 : i32
      %broadcast_in_dim3A_600 = vector.broadcast %jit3A_599 : i32 to vector<16xi32>
      %select_n3A_601 = arith.select %and3A_595, %sub3A_592, %broadcast_in_dim3A_600 : vector<16xi1>, vector<16xi32>
      %broadcast_in_dim3A_602 = arith.constant true
      %broadcast_in_dim3A_603 = vector.broadcast %broadcast_in_dim3A_602 : i1 to vector<16xi1>
      %masked_cummax3A_604 = arith.constant -2147483648 : i32
      %masked_cummax3A_605 = vector.broadcast %masked_cummax3A_604 : i32 to vector<16xi32>
      %masked_cummax3A_606 = arith.xori %select_n3A_601, %masked_cummax3A_605 : vector<16xi32>
      %masked_cummax3A_607 = tpu.scan <max>, %masked_cummax3A_606 masked %broadcast_in_dim3A_603 : vector<16xi32>, vector<16xi1> -> vector<16xi32>
      %masked_cummax3A_608 = arith.xori %masked_cummax3A_607, %masked_cummax3A_605 : vector<16xi32>
      %max3A_609 = arith.maxsi %masked_cummax3A_608, %scan3A_248 : vector<16xi32>
      %sub3A_610 = arith.subi %add3A_591, %max3A_609 : vector<16xi32>
      %shift_right_logical3A_611 = arith.constant 10 : i32
      %shift_right_logical3A_612 = vector.broadcast %shift_right_logical3A_611 : i32 to vector<16xi32>
      %shift_right_logical3A_613 = arith.shrui %sub3A_610, %shift_right_logical3A_612 : vector<16xi32>
      %and3A_614 = arith.constant 1023 : i32
      %and3A_615 = vector.broadcast %and3A_614 : i32 to vector<16xi32>
      %and3A_616 = arith.andi %sub3A_610, %and3A_615 : vector<16xi32>
      %convert_element_type3A_617 = arith.sitofp %shift_right_logical3A_613 : vector<16xi32> to vector<16xf32>
      %convert_element_type3A_618 = arith.sitofp %and3A_616 : vector<16xi32> to vector<16xf32>
      %add3A_619 = arith.constant 1.000000e-07 : f32
      %add3A_620 = vector.broadcast %add3A_619 : f32 to vector<16xf32>
      %add3A_621 = arith.addf %convert_element_type3A_618, %add3A_620 : vector<16xf32>
      %div3A_622 = arith.divf %convert_element_type3A_617, %add3A_621 : vector<16xf32>
      %ge3A_623 = arith.constant 0.699999988 : f32
      %ge3A_624 = vector.broadcast %ge3A_623 : f32 to vector<16xf32>
      %ge3A_625 = arith.cmpf oge, %div3A_622, %ge3A_624 : vector<16xf32>
      %lt3A_626 = arith.constant 1.42857146 : f32
      %lt3A_627 = vector.broadcast %lt3A_626 : f32 to vector<16xf32>
      %lt3A_628 = arith.cmpf olt, %div3A_622, %lt3A_627 : vector<16xf32>
      %and3A_629 = arith.andi %ge3A_625, %lt3A_628 : vector<16xi1>
      %and3A_630 = arith.andi %and3A_598, %and3A_629 : vector<16xi1>
      %jit3A_631 = arith.constant 1.000000e+00 : f32
      %jit3A_632 = arith.constant 0.000000e+00 : f32
      %broadcast_in_dim3A_633 = vector.broadcast %jit3A_631 : f32 to vector<16xf32>
      %broadcast_in_dim3A_634 = vector.broadcast %jit3A_632 : f32 to vector<16xf32>
      %select_n3A_635 = arith.select %and3A_630, %broadcast_in_dim3A_633, %broadcast_in_dim3A_634 : vector<16xi1>, vector<16xf32>
      %add3A_636 = arith.addf %add3A_557, %select_n3A_635 : vector<16xf32>
      %jit3A_637 = arith.constant 1.000000e+00 : f32
      %jit3A_638 = arith.constant 0.000000e+00 : f32
      %broadcast_in_dim3A_639 = vector.broadcast %jit3A_637 : f32 to vector<16xf32>
      %broadcast_in_dim3A_640 = vector.broadcast %jit3A_638 : f32 to vector<16xf32>
      %select_n3A_641 = arith.select %and3A_595, %broadcast_in_dim3A_639, %broadcast_in_dim3A_640 : vector<16xi1>, vector<16xf32>
      %add3A_642 = arith.addf %add3A_563, %select_n3A_641 : vector<16xf32>
      %broadcast_in_dim3A_643 = vector.shape_cast %add3A_14 : vector<16xi32> to vector<16x1xi32>
      %gather3A_644 = vector.shape_cast %broadcast_in_dim3A_643 : vector<16x1xi32> to vector<16xi32>
      %gather3A_645 = tpu.dynamic_gather %add3A_591[%gather3A_644] in [0] : vector<16xi32>, vector<16xi32> -> vector<16xi32>
      %broadcast_in_dim3A_646 = vector.shape_cast %add3A_14 : vector<16xi32> to vector<16x1xi32>
      %gather3A_647 = vector.shape_cast %broadcast_in_dim3A_646 : vector<16x1xi32> to vector<16xi32>
      %gather3A_648 = tpu.dynamic_gather %max3A_609[%gather3A_647] in [0] : vector<16xi32>, vector<16xi32> -> vector<16xi32>
      scf.yield %gather3A_329, %gather3A_408, %gather3A_487, %gather3A_566, %gather3A_645, %gather3A_332, %gather3A_411, %gather3A_490, %gather3A_569, %gather3A_648, %add3A_636, %add3A_642 : vector<16xi32>, vector<16xi32>, vector<16xi32>, vector<16xi32>, vector<16xi32>, vector<16xi32>, vector<16xi32>, vector<16xi32>, vector<16xi32>, vector<16xi32>, vector<16xf32>, vector<16xf32>
    }
    %scan3A_33 = arith.constant 32 : i32
    %get3A = arith.constant 512 : index
    %get3A_34 = tpu.vector_load %arg4[%get3A] {strides = array<i32>} : memref<2576xi32, #tpu.memory_space<vmem>>, vector<16xi32>,
    %broadcast_in_dim3A_35 = vector.shape_cast %add3A_14 : vector<16xi32> to vector<16x1xi32>
    %gather3A = vector.shape_cast %broadcast_in_dim3A_35 : vector<16x1xi32> to vector<16xi32>
    %gather3A_36 = tpu.dynamic_gather %get3A_34[%gather3A] in [0] : vector<16xi32>, vector<16xi32> -> vector<16xi32>
    %gt3A = arith.constant 0 : i32
    %gt3A_37 = vector.broadcast %gt3A : i32 to vector<16xi32>
    %gt3A_38 = arith.cmpi sgt, %gather3A_36, %gt3A_37 : vector<16xi32>
    %sub3A_39 = arith.subi %scan3A_32#0, %scan3A_32#5 : vector<16xi32>
    %shift_right_logical3A = arith.constant 10 : i32
    %shift_right_logical3A_40 = vector.broadcast %shift_right_logical3A : i32 to vector<16xi32>
    %shift_right_logical3A_41 = arith.shrui %sub3A_39, %shift_right_logical3A_40 : vector<16xi32>
    %convert_element_type3A = arith.sitofp %shift_right_logical3A_41 : vector<16xi32> to vector<16xf32>
    %and3A = arith.constant 1023 : i32
    %and3A_42 = vector.broadcast %and3A : i32 to vector<16xi32>
    %and3A_43 = arith.andi %sub3A_39, %and3A_42 : vector<16xi32>
    %convert_element_type3A_44 = arith.sitofp %and3A_43 : vector<16xi32> to vector<16xf32>
    %add3A_45 = arith.constant 1.000000e-07 : f32
    %add3A_46 = vector.broadcast %add3A_45 : f32 to vector<16xf32>
    %add3A_47 = arith.addf %convert_element_type3A_44, %add3A_46 : vector<16xf32>
    %div3A = arith.divf %convert_element_type3A, %add3A_47 : vector<16xf32>
    %ge3A = arith.constant 0.699999988 : f32
    %ge3A_48 = vector.broadcast %ge3A : f32 to vector<16xf32>
    %ge3A_49 = arith.cmpf oge, %div3A, %ge3A_48 : vector<16xf32>
    %lt3A = arith.constant 1.42857146 : f32
    %lt3A_50 = vector.broadcast %lt3A : f32 to vector<16xf32>
    %lt3A_51 = arith.cmpf olt, %div3A, %lt3A_50 : vector<16xf32>
    %and3A_52 = arith.andi %ge3A_49, %lt3A_51 : vector<16xi1>
    %and3A_53 = arith.andi %gt3A_38, %and3A_52 : vector<16xi1>
    %eq3A = arith.constant 0 : i32
    %eq3A_54 = vector.broadcast %eq3A : i32 to vector<16xi32>
    %eq3A_55 = arith.cmpi eq, %iota3A, %eq3A_54 : vector<16xi32>
    %and3A_56 = arith.andi %and3A_53, %eq3A_55 : vector<16xi1>
    %jit3A = arith.constant 1.000000e+00 : f32
    %jit3A_57 = arith.constant 0.000000e+00 : f32
    %broadcast_in_dim3A_58 = vector.broadcast %jit3A : f32 to vector<16xf32>
    %broadcast_in_dim3A_59 = vector.broadcast %jit3A_57 : f32 to vector<16xf32>
    %select_n3A = arith.select %and3A_56, %broadcast_in_dim3A_58, %broadcast_in_dim3A_59 : vector<16xi1>, vector<16xf32>
    %add3A_60 = arith.addf %scan3A_32#10, %select_n3A : vector<16xf32>
    %get3A_61 = arith.constant 1024 : index
    %get3A_62 = tpu.vector_load %arg4[%get3A_61] {strides = array<i32>} : memref<2576xi32, #tpu.memory_space<vmem>>, vector<16xi32>,
    %broadcast_in_dim3A_63 = vector.shape_cast %add3A_14 : vector<16xi32> to vector<16x1xi32>
    %gather3A_64 = vector.shape_cast %broadcast_in_dim3A_63 : vector<16x1xi32> to vector<16xi32>
    %gather3A_65 = tpu.dynamic_gather %get3A_62[%gather3A_64] in [0] : vector<16xi32>, vector<16xi32> -> vector<16xi32>
    %gt3A_66 = arith.constant 0 : i32
    %gt3A_67 = vector.broadcast %gt3A_66 : i32 to vector<16xi32>
    %gt3A_68 = arith.cmpi sgt, %gather3A_65, %gt3A_67 : vector<16xi32>
    %sub3A_69 = arith.subi %scan3A_32#1, %scan3A_32#6 : vector<16xi32>
    %shift_right_logical3A_70 = arith.constant 10 : i32
    %shift_right_logical3A_71 = vector.broadcast %shift_right_logical3A_70 : i32 to vector<16xi32>
    %shift_right_logical3A_72 = arith.shrui %sub3A_69, %shift_right_logical3A_71 : vector<16xi32>
    %convert_element_type3A_73 = arith.sitofp %shift_right_logical3A_72 : vector<16xi32> to vector<16xf32>
    %and3A_74 = arith.constant 1023 : i32
    %and3A_75 = vector.broadcast %and3A_74 : i32 to vector<16xi32>
    %and3A_76 = arith.andi %sub3A_69, %and3A_75 : vector<16xi32>
    %convert_element_type3A_77 = arith.sitofp %and3A_76 : vector<16xi32> to vector<16xf32>
    %add3A_78 = arith.constant 1.000000e-07 : f32
    %add3A_79 = vector.broadcast %add3A_78 : f32 to vector<16xf32>
    %add3A_80 = arith.addf %convert_element_type3A_77, %add3A_79 : vector<16xf32>
    %div3A_81 = arith.divf %convert_element_type3A_73, %add3A_80 : vector<16xf32>
    %ge3A_82 = arith.constant 0.699999988 : f32
    %ge3A_83 = vector.broadcast %ge3A_82 : f32 to vector<16xf32>
    %ge3A_84 = arith.cmpf oge, %div3A_81, %ge3A_83 : vector<16xf32>
    %lt3A_85 = arith.constant 1.42857146 : f32
    %lt3A_86 = vector.broadcast %lt3A_85 : f32 to vector<16xf32>
    %lt3A_87 = arith.cmpf olt, %div3A_81, %lt3A_86 : vector<16xf32>
    %and3A_88 = arith.andi %ge3A_84, %lt3A_87 : vector<16xi1>
    %and3A_89 = arith.andi %gt3A_68, %and3A_88 : vector<16xi1>
    %eq3A_90 = arith.constant 0 : i32
    %eq3A_91 = vector.broadcast %eq3A_90 : i32 to vector<16xi32>
    %eq3A_92 = arith.cmpi eq, %iota3A, %eq3A_91 : vector<16xi32>
    %and3A_93 = arith.andi %and3A_89, %eq3A_92 : vector<16xi1>
    %jit3A_94 = arith.constant 1.000000e+00 : f32
    %jit3A_95 = arith.constant 0.000000e+00 : f32
    %broadcast_in_dim3A_96 = vector.broadcast %jit3A_94 : f32 to vector<16xf32>
    %broadcast_in_dim3A_97 = vector.broadcast %jit3A_95 : f32 to vector<16xf32>
    %select_n3A_98 = arith.select %and3A_93, %broadcast_in_dim3A_96, %broadcast_in_dim3A_97 : vector<16xi1>, vector<16xf32>
    %add3A_99 = arith.addf %add3A_60, %select_n3A_98 : vector<16xf32>
    %get3A_100 = arith.constant 1536 : index
    %get3A_101 = tpu.vector_load %arg4[%get3A_100] {strides = array<i32>} : memref<2576xi32, #tpu.memory_space<vmem>>, vector<16xi32>,
    %broadcast_in_dim3A_102 = vector.shape_cast %add3A_14 : vector<16xi32> to vector<16x1xi32>
    %gather3A_103 = vector.shape_cast %broadcast_in_dim3A_102 : vector<16x1xi32> to vector<16xi32>
    %gather3A_104 = tpu.dynamic_gather %get3A_101[%gather3A_103] in [0] : vector<16xi32>, vector<16xi32> -> vector<16xi32>
    %gt3A_105 = arith.constant 0 : i32
    %gt3A_106 = vector.broadcast %gt3A_105 : i32 to vector<16xi32>
    %gt3A_107 = arith.cmpi sgt, %gather3A_104, %gt3A_106 : vector<16xi32>
    %sub3A_108 = arith.subi %scan3A_32#2, %scan3A_32#7 : vector<16xi32>
    %shift_right_logical3A_109 = arith.constant 10 : i32
    %shift_right_logical3A_110 = vector.broadcast %shift_right_logical3A_109 : i32 to vector<16xi32>
    %shift_right_logical3A_111 = arith.shrui %sub3A_108, %shift_right_logical3A_110 : vector<16xi32>
    %convert_element_type3A_112 = arith.sitofp %shift_right_logical3A_111 : vector<16xi32> to vector<16xf32>
    %and3A_113 = arith.constant 1023 : i32
    %and3A_114 = vector.broadcast %and3A_113 : i32 to vector<16xi32>
    %and3A_115 = arith.andi %sub3A_108, %and3A_114 : vector<16xi32>
    %convert_element_type3A_116 = arith.sitofp %and3A_115 : vector<16xi32> to vector<16xf32>
    %add3A_117 = arith.constant 1.000000e-07 : f32
    %add3A_118 = vector.broadcast %add3A_117 : f32 to vector<16xf32>
    %add3A_119 = arith.addf %convert_element_type3A_116, %add3A_118 : vector<16xf32>
    %div3A_120 = arith.divf %convert_element_type3A_112, %add3A_119 : vector<16xf32>
    %ge3A_121 = arith.constant 0.699999988 : f32
    %ge3A_122 = vector.broadcast %ge3A_121 : f32 to vector<16xf32>
    %ge3A_123 = arith.cmpf oge, %div3A_120, %ge3A_122 : vector<16xf32>
    %lt3A_124 = arith.constant 1.42857146 : f32
    %lt3A_125 = vector.broadcast %lt3A_124 : f32 to vector<16xf32>
    %lt3A_126 = arith.cmpf olt, %div3A_120, %lt3A_125 : vector<16xf32>
    %and3A_127 = arith.andi %ge3A_123, %lt3A_126 : vector<16xi1>
    %and3A_128 = arith.andi %gt3A_107, %and3A_127 : vector<16xi1>
    %eq3A_129 = arith.constant 0 : i32
    %eq3A_130 = vector.broadcast %eq3A_129 : i32 to vector<16xi32>
    %eq3A_131 = arith.cmpi eq, %iota3A, %eq3A_130 : vector<16xi32>
    %and3A_132 = arith.andi %and3A_128, %eq3A_131 : vector<16xi1>
    %jit3A_133 = arith.constant 1.000000e+00 : f32
    %jit3A_134 = arith.constant 0.000000e+00 : f32
    %broadcast_in_dim3A_135 = vector.broadcast %jit3A_133 : f32 to vector<16xf32>
    %broadcast_in_dim3A_136 = vector.broadcast %jit3A_134 : f32 to vector<16xf32>
    %select_n3A_137 = arith.select %and3A_132, %broadcast_in_dim3A_135, %broadcast_in_dim3A_136 : vector<16xi1>, vector<16xf32>
    %add3A_138 = arith.addf %add3A_99, %select_n3A_137 : vector<16xf32>
    %get3A_139 = arith.constant 2048 : index
    %get3A_140 = tpu.vector_load %arg4[%get3A_139] {strides = array<i32>} : memref<2576xi32, #tpu.memory_space<vmem>>, vector<16xi32>,
    %broadcast_in_dim3A_141 = vector.shape_cast %add3A_14 : vector<16xi32> to vector<16x1xi32>
    %gather3A_142 = vector.shape_cast %broadcast_in_dim3A_141 : vector<16x1xi32> to vector<16xi32>
    %gather3A_143 = tpu.dynamic_gather %get3A_140[%gather3A_142] in [0] : vector<16xi32>, vector<16xi32> -> vector<16xi32>
    %gt3A_144 = arith.constant 0 : i32
    %gt3A_145 = vector.broadcast %gt3A_144 : i32 to vector<16xi32>
    %gt3A_146 = arith.cmpi sgt, %gather3A_143, %gt3A_145 : vector<16xi32>
    %sub3A_147 = arith.subi %scan3A_32#3, %scan3A_32#8 : vector<16xi32>
    %shift_right_logical3A_148 = arith.constant 10 : i32
    %shift_right_logical3A_149 = vector.broadcast %shift_right_logical3A_148 : i32 to vector<16xi32>
    %shift_right_logical3A_150 = arith.shrui %sub3A_147, %shift_right_logical3A_149 : vector<16xi32>
    %convert_element_type3A_151 = arith.sitofp %shift_right_logical3A_150 : vector<16xi32> to vector<16xf32>
    %and3A_152 = arith.constant 1023 : i32
    %and3A_153 = vector.broadcast %and3A_152 : i32 to vector<16xi32>
    %and3A_154 = arith.andi %sub3A_147, %and3A_153 : vector<16xi32>
    %convert_element_type3A_155 = arith.sitofp %and3A_154 : vector<16xi32> to vector<16xf32>
    %add3A_156 = arith.constant 1.000000e-07 : f32
    %add3A_157 = vector.broadcast %add3A_156 : f32 to vector<16xf32>
    %add3A_158 = arith.addf %convert_element_type3A_155, %add3A_157 : vector<16xf32>
    %div3A_159 = arith.divf %convert_element_type3A_151, %add3A_158 : vector<16xf32>
    %ge3A_160 = arith.constant 0.699999988 : f32
    %ge3A_161 = vector.broadcast %ge3A_160 : f32 to vector<16xf32>
    %ge3A_162 = arith.cmpf oge, %div3A_159, %ge3A_161 : vector<16xf32>
    %lt3A_163 = arith.constant 1.42857146 : f32
    %lt3A_164 = vector.broadcast %lt3A_163 : f32 to vector<16xf32>
    %lt3A_165 = arith.cmpf olt, %div3A_159, %lt3A_164 : vector<16xf32>
    %and3A_166 = arith.andi %ge3A_162, %lt3A_165 : vector<16xi1>
    %and3A_167 = arith.andi %gt3A_146, %and3A_166 : vector<16xi1>
    %eq3A_168 = arith.constant 0 : i32
    %eq3A_169 = vector.broadcast %eq3A_168 : i32 to vector<16xi32>
    %eq3A_170 = arith.cmpi eq, %iota3A, %eq3A_169 : vector<16xi32>
    %and3A_171 = arith.andi %and3A_167, %eq3A_170 : vector<16xi1>
    %jit3A_172 = arith.constant 1.000000e+00 : f32
    %jit3A_173 = arith.constant 0.000000e+00 : f32
    %broadcast_in_dim3A_174 = vector.broadcast %jit3A_172 : f32 to vector<16xf32>
    %broadcast_in_dim3A_175 = vector.broadcast %jit3A_173 : f32 to vector<16xf32>
    %select_n3A_176 = arith.select %and3A_171, %broadcast_in_dim3A_174, %broadcast_in_dim3A_175 : vector<16xi1>, vector<16xf32>
    %add3A_177 = arith.addf %add3A_138, %select_n3A_176 : vector<16xf32>
    %get3A_178 = arith.constant 2560 : index
    %get3A_179 = tpu.vector_load %arg4[%get3A_178] {strides = array<i32>} : memref<2576xi32, #tpu.memory_space<vmem>>, vector<16xi32>,
    %broadcast_in_dim3A_180 = vector.shape_cast %add3A_14 : vector<16xi32> to vector<16x1xi32>
    %gather3A_181 = vector.shape_cast %broadcast_in_dim3A_180 : vector<16x1xi32> to vector<16xi32>
    %gather3A_182 = tpu.dynamic_gather %get3A_179[%gather3A_181] in [0] : vector<16xi32>, vector<16xi32> -> vector<16xi32>
    %gt3A_183 = arith.constant 0 : i32
    %gt3A_184 = vector.broadcast %gt3A_183 : i32 to vector<16xi32>
    %gt3A_185 = arith.cmpi sgt, %gather3A_182, %gt3A_184 : vector<16xi32>
    %sub3A_186 = arith.subi %scan3A_32#4, %scan3A_32#9 : vector<16xi32>
    %shift_right_logical3A_187 = arith.constant 10 : i32
    %shift_right_logical3A_188 = vector.broadcast %shift_right_logical3A_187 : i32 to vector<16xi32>
    %shift_right_logical3A_189 = arith.shrui %sub3A_186, %shift_right_logical3A_188 : vector<16xi32>
    %convert_element_type3A_190 = arith.sitofp %shift_right_logical3A_189 : vector<16xi32> to vector<16xf32>
    %and3A_191 = arith.constant 1023 : i32
    %and3A_192 = vector.broadcast %and3A_191 : i32 to vector<16xi32>
    %and3A_193 = arith.andi %sub3A_186, %and3A_192 : vector<16xi32>
    %convert_element_type3A_194 = arith.sitofp %and3A_193 : vector<16xi32> to vector<16xf32>
    %add3A_195 = arith.constant 1.000000e-07 : f32
    %add3A_196 = vector.broadcast %add3A_195 : f32 to vector<16xf32>
    %add3A_197 = arith.addf %convert_element_type3A_194, %add3A_196 : vector<16xf32>
    %div3A_198 = arith.divf %convert_element_type3A_190, %add3A_197 : vector<16xf32>
    %ge3A_199 = arith.constant 0.699999988 : f32
    %ge3A_200 = vector.broadcast %ge3A_199 : f32 to vector<16xf32>
    %ge3A_201 = arith.cmpf oge, %div3A_198, %ge3A_200 : vector<16xf32>
    %lt3A_202 = arith.constant 1.42857146 : f32
    %lt3A_203 = vector.broadcast %lt3A_202 : f32 to vector<16xf32>
    %lt3A_204 = arith.cmpf olt, %div3A_198, %lt3A_203 : vector<16xf32>
    %and3A_205 = arith.andi %ge3A_201, %lt3A_204 : vector<16xi1>
    %and3A_206 = arith.andi %gt3A_185, %and3A_205 : vector<16xi1>
    %eq3A_207 = arith.constant 0 : i32
    %eq3A_208 = vector.broadcast %eq3A_207 : i32 to vector<16xi32>
    %eq3A_209 = arith.cmpi eq, %iota3A, %eq3A_208 : vector<16xi32>
    %and3A_210 = arith.andi %and3A_206, %eq3A_209 : vector<16xi1>
    %jit3A_211 = arith.constant 1.000000e+00 : f32
    %jit3A_212 = arith.constant 0.000000e+00 : f32
    %broadcast_in_dim3A_213 = vector.broadcast %jit3A_211 : f32 to vector<16xf32>
    %broadcast_in_dim3A_214 = vector.broadcast %jit3A_212 : f32 to vector<16xf32>
    %select_n3A_215 = arith.select %and3A_210, %broadcast_in_dim3A_213, %broadcast_in_dim3A_214 : vector<16xi1>, vector<16xf32>
    %add3A_216 = arith.addf %add3A_177, %select_n3A_215 : vector<16xf32>
    %reduce_sum3A = arith.constant true
    %reduce_sum3A_217 = vector.broadcast %reduce_sum3A : i1 to vector<16xi1>
    %reduce_sum3A_218 = tpu.scan <sum>, %add3A_216 masked %reduce_sum3A_217 : vector<16xf32>, vector<16xi1> -> vector<16xf32>
    %reduce_sum3A_219 = vector.extract %reduce_sum3A_218[15] : f32 from vector<16xf32>
    %reduce_sum3A_220 = arith.constant true
    %reduce_sum3A_221 = vector.broadcast %reduce_sum3A_220 : i1 to vector<16xi1>
    %reduce_sum3A_222 = tpu.scan <sum>, %scan3A_32#11 masked %reduce_sum3A_221 : vector<16xf32>, vector<16xi1> -> vector<16xf32>
    %reduce_sum3A_223 = vector.extract %reduce_sum3A_222[15] : f32 from vector<16xf32>
    %eq3A_224 = arith.constant 0 : i32
    %eq3A_225 = vector.broadcast %eq3A_224 : i32 to vector<16xi32>
    %eq3A_226 = arith.cmpi eq, %iota3A, %eq3A_225 : vector<16xi32>
    %eq3A_227 = arith.constant 1 : i32
    %eq3A_228 = vector.broadcast %eq3A_227 : i32 to vector<16xi32>
    %eq3A_229 = arith.cmpi eq, %iota3A, %eq3A_228 : vector<16xi32>
    %jit3A_230 = arith.constant 0.000000e+00 : f32
    %broadcast_in_dim3A_231 = vector.broadcast %reduce_sum3A_223 : f32 to vector<16xf32>
    %broadcast_in_dim3A_232 = vector.broadcast %jit3A_230 : f32 to vector<16xf32>
    %select_n3A_233 = arith.select %eq3A_229, %broadcast_in_dim3A_231, %broadcast_in_dim3A_232 : vector<16xi1>, vector<16xf32>
    %broadcast_in_dim3A_234 = vector.broadcast %reduce_sum3A_219 : f32 to vector<16xf32>
    %select_n3A_235 = arith.select %eq3A_226, %broadcast_in_dim3A_234, %select_n3A_233 : vector<16xi1>, vector<16xf32>
    %swap3A_236 = arith.constant 0 : index
    %swap3A_237 = tpu.vector_load %arg5[%swap3A_236] {strides = array<i32>} : memref<16xf32, #tpu.memory_space<vmem>>, vector<16xf32>,
    tpu.vector_store %arg5[%swap3A_236], %select_n3A_235 {strides = array<i32>} : memref<16xf32, #tpu.memory_space<vmem>>, vector<16xf32>,
    "tpu.region"() ({
      %run_scoped3A = tpu.sem_alloc : memref<!tpu.dma_semaphore, #tpu.memory_space<semaphore_mem>>
      %dma_start3A = arith.constant 0 : i32
      %dma_start3A_238 = tpu.memref_slice %arg3[%add3A, %dma_start3A] : memref<32x16xf32, #tpu.memory_space<hbm>> -> memref<1x16xf32, #tpu.memory_space<hbm>>
      %dma_start3A_239 = tpu.memref_squeeze %dma_start3A_238 : memref<1x16xf32, #tpu.memory_space<hbm>> -> memref<16xf32, #tpu.memory_space<hbm>>
      %dma_start3A_240 = arith.constant 0 : i32
      %dma_start3A_241 = tpu.memref_slice %arg3[%add3A, %dma_start3A_240] : memref<32x16xf32, #tpu.memory_space<hbm>> -> memref<1x16xf32, #tpu.memory_space<hbm>>
      %dma_start3A_242 = tpu.memref_squeeze %dma_start3A_241 : memref<1x16xf32, #tpu.memory_space<hbm>> -> memref<16xf32, #tpu.memory_space<hbm>>
      tpu.enqueue_dma source(%arg5 : memref<16xf32, #tpu.memory_space<vmem>>) target(%dma_start3A_242 : memref<16xf32, #tpu.memory_space<hbm>>) target_semaphore(%run_scoped3A : memref<!tpu.dma_semaphore, #tpu.memory_space<semaphore_mem>>)
      %dma_wait3A = arith.constant 0 : i32
      %dma_wait3A_243 = tpu.memref_slice %arg3[%add3A, %dma_wait3A] : memref<32x16xf32, #tpu.memory_space<hbm>> -> memref<1x16xf32, #tpu.memory_space<hbm>>
      %dma_wait3A_244 = tpu.memref_squeeze %dma_wait3A_243 : memref<1x16xf32, #tpu.memory_space<hbm>> -> memref<16xf32, #tpu.memory_space<hbm>>
      %dma_wait3A_245 = arith.constant 0 : i32
      %dma_wait3A_246 = tpu.memref_slice %arg3[%add3A, %dma_wait3A_245] : memref<32x16xf32, #tpu.memory_space<hbm>> -> memref<1x16xf32, #tpu.memory_space<hbm>>
      %dma_wait3A_247 = tpu.memref_squeeze %dma_wait3A_246 : memref<1x16xf32, #tpu.memory_space<hbm>> -> memref<16xf32, #tpu.memory_space<hbm>>
      tpu.wait_dma2 semaphore(%run_scoped3A : memref<!tpu.dma_semaphore, #tpu.memory_space<semaphore_mem>>) src(%arg5 : memref<16xf32, #tpu.memory_space<vmem>>) dst(%dma_wait3A_247 : memref<16xf32, #tpu.memory_space<hbm>>)
      tpu.yield
    }) : () -> ()
    return
  }
}

module attributes {stable_mosaic.version = 14 : i64} {
  func.func @_combine_kernel(%arg0: memref<32x16xf32, #tpu.memory_space<vmem>>, %arg1: memref<1x1xf32, #tpu.memory_space<vmem>>) attributes {dimension_semantics = [], scalar_prefetch = 0 : i64, scratch_operands = 0 : i64, tpu.core_type = #tpu.core_type<tc>} {
    %get3A = arith.constant 0 : index
    %get3A_0 = arith.constant 0 : index
    %get3A_1 = vector.load %arg0[%get3A, %get3A_0] : memref<32x16xf32, #tpu.memory_space<vmem>>, vector<32x16xf32>
    %reshape3A = vector.shape_cast %get3A_1 : vector<32x16xf32> to vector<16x2x16xf32>
    %reduce_sum3A = arith.constant dense<0.000000e+00> : vector<16x16xf32>
    %reduce_sum3A_2 = vector.multi_reduction <add>, %reshape3A, %reduce_sum3A [1] : vector<16x2x16xf32> to vector<16x16xf32>
    %iota3A = tpu.iota {dimensions = array<i32: 1>} : vector<16x16xi32>
    %eq3A = arith.constant 0 : i32
    %eq3A_3 = vector.broadcast %eq3A : i32 to vector<16x16xi32>
    %eq3A_4 = arith.cmpi eq, %iota3A, %eq3A_3 : vector<16x16xi32>
    %jit3A = arith.constant 0.000000e+00 : f32
    %broadcast_in_dim3A = vector.broadcast %jit3A : f32 to vector<16x16xf32>
    %select_n3A = arith.select %eq3A_4, %reduce_sum3A_2, %broadcast_in_dim3A : vector<16x16xi1>, vector<16x16xf32>
    %reduce_sum3A_5 = arith.constant dense<0.000000e+00> : vector<16xf32>
    %reduce_sum3A_6 = vector.multi_reduction <add>, %select_n3A, %reduce_sum3A_5 [1] : vector<16x16xf32> to vector<16xf32>
    %broadcast_in_dim3A_7 = vector.shape_cast %reduce_sum3A_6 : vector<16xf32> to vector<16x1xf32>
    %eq3A_8 = arith.constant 1 : i32
    %eq3A_9 = vector.broadcast %eq3A_8 : i32 to vector<16x16xi32>
    %eq3A_10 = arith.cmpi eq, %iota3A, %eq3A_9 : vector<16x16xi32>
    %jit3A_11 = arith.constant 0.000000e+00 : f32
    %broadcast_in_dim3A_12 = vector.broadcast %jit3A_11 : f32 to vector<16x16xf32>
    %select_n3A_13 = arith.select %eq3A_10, %reduce_sum3A_2, %broadcast_in_dim3A_12 : vector<16x16xi1>, vector<16x16xf32>
    %reduce_sum3A_14 = arith.constant dense<0.000000e+00> : vector<16xf32>
    %reduce_sum3A_15 = vector.multi_reduction <add>, %select_n3A_13, %reduce_sum3A_14 [1] : vector<16x16xf32> to vector<16xf32>
    %broadcast_in_dim3A_16 = vector.shape_cast %reduce_sum3A_15 : vector<16xf32> to vector<16x1xf32>
    %mul3A = arith.constant 5.000000e-01 : f32
    %mul3A_17 = vector.broadcast %mul3A : f32 to vector<16x1xf32>
    %mul3A_18 = arith.mulf %mul3A_17, %broadcast_in_dim3A_7 : vector<16x1xf32>
    %mul3A_19 = arith.constant 5.000000e-01 : f32
    %mul3A_20 = vector.broadcast %mul3A_19 : f32 to vector<16x1xf32>
    %mul3A_21 = arith.mulf %mul3A_20, %broadcast_in_dim3A_16 : vector<16x1xf32>
    %add3A = arith.addf %mul3A_18, %mul3A_21 : vector<16x1xf32>
    %gt3A = arith.constant 0.000000e+00 : f32
    %gt3A_22 = vector.broadcast %gt3A : f32 to vector<16x1xf32>
    %gt3A_23 = arith.cmpf ogt, %add3A, %gt3A_22 : vector<16x1xf32>
    %div3A = arith.divf %broadcast_in_dim3A_7, %add3A : vector<16x1xf32>
    %jit3A_24 = arith.constant 0.000000e+00 : f32
    %broadcast_in_dim3A_25 = vector.broadcast %jit3A_24 : f32 to vector<16x1xf32>
    %select_n3A_26 = arith.select %gt3A_23, %div3A, %broadcast_in_dim3A_25 : vector<16x1xi1>, vector<16x1xf32>
    %reduce_sum3A_27 = vector.shape_cast %select_n3A_26 : vector<16x1xf32> to vector<1x16x1xf32>
    %reduce_sum3A_28 = arith.constant dense<0.000000e+00> : vector<1xf32>
    %reduce_sum3A_29 = vector.multi_reduction <add>, %reduce_sum3A_27, %reduce_sum3A_28 [1, 2] : vector<1x16x1xf32> to vector<1xf32>
    %reduce_sum3A_30 = vector.shape_cast %reduce_sum3A_29 : vector<1xf32> to vector<1x1x1xf32>
    %reduce_sum3A_31 = vector.extract %reduce_sum3A_30[0, 0, 0] : f32 from vector<1x1x1xf32>
    %broadcast_in_dim3A_32 = vector.broadcast %reduce_sum3A_31 : f32 to vector<1x1xf32>
    %div3A_33 = arith.constant 1.600000e+01 : f32
    %div3A_34 = vector.broadcast %div3A_33 : f32 to vector<1x1xf32>
    %div3A_35 = arith.divf %broadcast_in_dim3A_32, %div3A_34 : vector<1x1xf32>
    %swap3A = arith.constant 0 : index
    %swap3A_36 = arith.constant 0 : index
    %swap3A_37 = vector.load %arg1[%swap3A, %swap3A_36] : memref<1x1xf32, #tpu.memory_space<vmem>>, vector<1x1xf32>
    tpu.vector_store %arg1[%swap3A, %swap3A_36], %div3A_35 {strides = array<i32>} : memref<1x1xf32, #tpu.memory_space<vmem>>, vector<1x1xf32>,
    return
  }
}

</mosaic_0001>

<sc_bundles>
// kernel: kernel.4.cloned.1.call-start
scs
__scs_entry_jumppad:
0x0: {  	(pc) =	sbr.rel $0x88, $3  }
0x1: {  	(tag) =	ssettag $0x0;
	lr =	simm.s32 $0x1  }
0x2: {  	[smem:$0x3F9F] =	sst lr;
	_ =	strace $0xD0000000  }
0x3: {  	_ = 	snop  }
0x4: {  	_ = 	snop  }
0x5: {  	_ = 	snop  }
0x6: {  	_ = 	snop  }
0x7: {  	_ = 	snop  }
__scs_overlays_trampoline_lowered:
0x8: {  	[smem:$0x3FAE] =	sst s0  }
0x9: {  	[smem:$0x3FAF] =	sst s1  }
0xa: {  	[smem:$0x3FB0] =	sst s2  }
0xb: {  	[smem:$0x3FB1] =	sst s3  }
0xc: {  	[smem:$0x3FB2] =	sst s4  }
0xd: {  	[smem:$0x3FB3] =	sst s5  }
0xe: {  	[smem:$0x3FB4] =	sst s6  }
0xf: {  	[smem:$0x3FB5] =	sst s7  }
0x10: {  	[smem:$0x3FB6] =	sst s8  }
0x11: {  	[smem:$0x3FB7] =	sst s9;
	s0 =	simm.s32 @!p0 $0x0  }
0x12: {  	s1 =	sld [smem:$0x3F9D];
	s0 =	simm.s32 @p0 $0x1  }
0x13: {  	[smem:$0x3FB8] =	sst s0;
	s0 =	simm.s32 @!p1 $0x0  }
0x14: {  	s2 =	sld [smem:$0x3F9C];
	s0 =	simm.s32 @p1 $0x1  }
0x15: {  	[smem:$0x3FB9] =	sst s0;
	s0 =	simm.s32 @!p2 $0x0  }
0x16: {  	s3 =	sld [smem:$0x3FDB];
	s0 =	simm.s32 @p2 $0x1  }
0x17: {  	s4 =	simm.s32 $0x1BF5;
	[smem:$0x3FBB] =	sst s0  }
0x18: {  	s0 =	sld [smem:$0x3F9E];
	_ =	swait.ge [sflag:s4], $0x0  }
0x19: {  	s7 =	sld [smem:$0x3F9F]  }
0x1a: {  	s8 =	sadd.s32 $0xFFFFE003, lr  }
0x1b: {  	s9 =	sadd.s32 $0xFFFFFEF7, lr;
	s5 =	simm.s32 $0xFFFFFFFF;
	p2 =	slt.u32 s8, $0xFFFFF086  }
0x1c: {  	p1 =	slt.u32 s9, $0xF7A;
	s5 =	simm.s32 @!p2 $0x0  }
0x1d: {  	s5 =	simm.s32 @p1 $0x1;
	p0 =	seq.s32 s7, s2  }
0x1e: {  	s7 =	smul.u32 @!p0 $0xF7A, s2;
	p2 =	seq.s32 @!p0 s5, $0x0  }
0x1f: {  	s9 =	smul.u32 $0xF7A, s1;
	s8 =	simm.s32 @!p0 $0x1BF5;
	p2 =	por !p2, p0  }
0x20: {  	[sflag:s8] =	ssyncset.s32 @!p0 $0xFFFFF086;
	s6 =	sadd.s32 @!p0 s3, s7;
	s7 =	simm.s32 @!p0 $0x108  }
0x21: {  	s3 =	sadd.s32 s3, s9;
	s6 =	sadd.s32 @!p0 $0x88, s6;
	s7 =	simm.s32 @p2 $0x1082  }
0x22: {  	[simem:s7], [sflag:s8] =	dma.local @!p0 [hbm:s6], $0xF7A  }
0x23: {  	s9 =	sor.u32 $0xD0000000, s2;
	s6 =	simm.s32 $0x108;
	_ =	swait.ge @!p0 [sflag:s8], $0x0  }
0x24: {  	s3 =	sadd.s32 $0x88, s3;
	s6 =	simm.s32 @!p1 $0x1082;
	[sflag:s4] =	ssyncset.s32 $0xFFFFF086  }
0x25: {  	[simem:s6], [sflag:s4] =	dma.local [hbm:s3], $0xF7A  }
0x26: {  	[smem:$0x3F9F] =	sst s1;
	(tag) =	ssettag s2;
	_ =	strace s9  }
0x27: {  	s1 =	sld [smem:$0x3FAF]  }
0x28: {  	s2 =	sld [smem:$0x3FB0]  }
0x29: {  	s4 =	sld [smem:$0x3FB2]  }
0x2a: {  	p0 =	seq.s32 s5, $0x0;
	s5 =	sld [smem:$0x3FB3]  }
0x2b: {  	s6 =	sld [smem:$0x3FB4]  }
0x2c: {  	s7 =	sld [smem:$0x3FB5]  }
0x2d: {  	s3 =	simm.s32 $0x108;
	s8 =	sld [smem:$0x3FB6]  }
0x2e: {  	s3 =	simm.s32 @!p0 $0x1082;
	s9 =	sld [smem:$0x3FB7]  }
0x2f: {  	lr =	sadd.s32 s0, s3;
	s0 =	sld [smem:$0x3FAE]  }
0x30: {  	s3 =	sld [smem:$0x3FB1]  }
0x31: {  	[smem:$0x3FBA] =	sst s10  }
0x32: {  	s10 =	sld [smem:$0x3FB8];
	_ =	sdelay $0x3  }
0x33: {  	p0 =	seq.s32 s10, $0x1;
	s10 =	sld [smem:$0x3FBA];
	_ =	sdelay $0x3  }
0x34: {  	[smem:$0x3FBA] =	sst s10  }
0x35: {  	s10 =	sld [smem:$0x3FB9];
	_ =	sdelay $0x3  }
0x36: {  	p1 =	seq.s32 s10, $0x1;
	s10 =	sld [smem:$0x3FBA];
	_ =	sdelay $0x3  }
0x37: {  	[smem:$0x3FBA] =	sst s10  }
0x38: {  	s10 =	sld [smem:$0x3FBB]  }
0x39: {  	_ = 	snop;
	(pc) =	sbr.ind lr, $3  }
0x3a: {  	_ = 	snop  }
0x3b: {  	_ = 	snop  }
0x3c: {  	p2 =	seq.s32 s10, $0x1;
	s10 =	sld [smem:$0x3FBA]  }
0x3d: {  	_ =	shalt  }
0x3e: {  	_ =	shalt  }
0x3f: {  	_ =	shalt  }
0x40: {  	_ =	shalt  }
0x41: {  	_ =	shalt  }
0x42: {  	_ =	shalt  }
0x43: {  	_ =	shalt  }
0x44: {  	_ =	shalt  }
0x45: {  	_ =	shalt  }
0x46: {  	_ =	shalt  }
0x47: {  	_ =	shalt  }
0x48: {  	_ =	shalt  }
0x49: {  	_ =	shalt  }
0x4a: {  	_ =	shalt  }
0x4b: {  	_ =	shalt  }
0x4c: {  	_ =	shalt  }
0x4d: {  	_ =	shalt  }
0x4e: {  	_ =	shalt  }
0x4f: {  	_ =	shalt  }
0x50: {  	_ =	shalt  }
0x51: {  	_ =	shalt  }
0x52: {  	_ =	shalt  }
0x53: {  	_ =	shalt  }
0x54: {  	_ =	shalt  }
0x55: {  	_ =	shalt  }
0x56: {  	_ =	shalt  }
0x57: {  	_ =	shalt  }
0x58: {  	_ =	shalt  }
0x59: {  	_ =	shalt  }
0x5a: {  	_ =	shalt  }
0x5b: {  	_ =	shalt  }
0x5c: {  	_ =	shalt  }
0x5d: {  	_ =	shalt  }
0x5e: {  	_ =	shalt  }
0x5f: {  	_ =	shalt  }
0x60: {  	_ =	shalt  }
0x61: {  	_ =	shalt  }
0x62: {  	_ =	shalt  }
0x63: {  	_ =	shalt  }
0x64: {  	_ =	shalt  }
0x65: {  	_ =	shalt  }
0x66: {  	_ =	shalt  }
0x67: {  	_ =	shalt  }
0x68: {  	_ =	shalt  }
0x69: {  	_ =	shalt  }
0x6a: {  	_ =	shalt  }
0x6b: {  	_ =	shalt  }
0x6c: {  	_ =	shalt  }
0x6d: {  	_ =	shalt  }
0x6e: {  	_ =	shalt  }
0x6f: {  	_ =	shalt  }
0x70: {  	_ =	shalt  }
0x71: {  	_ =	shalt  }
0x72: {  	_ =	shalt  }
0x73: {  	_ =	shalt  }
0x74: {  	_ =	shalt  }
0x75: {  	_ =	shalt  }
0x76: {  	_ =	shalt  }
0x77: {  	_ =	shalt  }
0x78: {  	_ =	shalt  }
0x79: {  	_ =	shalt  }
0x7a: {  	_ =	shalt  }
0x7b: {  	_ =	shalt  }
0x7c: {  	_ =	shalt  }
0x7d: {  	_ =	shalt  }
0x7e: {  	_ =	shalt  }
0x7f: {  	_ =	shalt  }
0x80: {  	_ =	shalt  }
0x81: {  	_ =	shalt  }
0x82: {  	_ =	shalt  }
0x83: {  	_ =	shalt  }
0x84: {  	_ =	shalt  }
0x85: {  	_ =	shalt  }
0x86: {  	_ =	shalt  }
0x87: {  	_ =	shalt  }
.Lfunc_end0:
.L_simem_size_0:
called_computation_lowered:
.L_overlay_start_0:
0x88: {  	s2 =	sld [smem:$0x3FD9]  }
0x89: {  	s3 =	sld [smem:$0x3FFE];
	_ =	sdelay $0x1  }
0x8a: {  	s1 =	srdreg.scid  }
0x8b: {  	s0 =	sand.u32 $0x1, s1  }
0x8c: {  	s16 =	sshll.u32 s0, $0xA;
	s2 =	sadd.s32 s3, s2  }
0x8d: {  	s2 =	sadd.s32 s2, s16  }
0x8e: {  	[smem:$0x3FC6] =	sst s2  }
0x8f: {  	_ = 	snop  }
0x90: {  	(tm) =	ssettm $0x1  }
0x91: {  	s17 =	sld [smem:$0x3FFB];
	_ =	sdelay $0x3  }
0x92: {  	_ =	strace s17  }
0x93: {  	s2 =	sld [smem:$0x3FFC];
	_ =	sdelay $0x3  }
0x94: {  	_ =	strace s2  }
0x95: {  	s2 =	sld [smem:$0x3FFD];
	_ =	sdelay $0x3  }
0x96: {  	_ =	strace s2  }
0x97: {  	_ =	strace $0x8FFFFFFF  }
0x98: {  	s18 =	sld [smem:$0x3FDB];
	_ =	sdelay $0x1  }
0x99: {  	s19 =	simm.s32 $_scs_section_size  }
0x9a: {  	s4 =	simm.s32 $_size__tile_overlayer_lowered;
	s5 =	simm.s32 $_tile_overlayer_lowered  }
0x9b: {  	s22 =	simm.s32 $0x1BFF;
	s21 =	sshll.u32 s5, $0x1;
	s2 =	sadd.s32 s19, s18  }
0x9c: {  	s6 =	simm.s32 $0x0;
	s20 =	sshll.u32 s4, $0x1;
	s4 =	sadd.s32 s21, s2  }
0x9d: {  	[timem:s6], [sflag:s22] =	dma.local [hbm:s4], s20  }
0x9e: {  	_ =	swait.ge [sflag:s22], s20  }
0x9f: {  	s3 =	ssub.s32 $0x0, s20;
	[sflag:s22] =	ssyncset.done $0x0  }
0xa0: {  	[sflag:s22] =	ssyncadd.s32 s3;
	_ =	sdelay $0x1  }
0xa1: {  	s23 =	simm.s32 $0x1B8B  }
0xa2: {  	_ =	swait.ge [sflag:s23], $0x1  }
0xa3: {  	[sflag:s23] =	ssyncset.done $0x0  }
0xa4: {  	s25 =	simm.s32 $0x1B8E;
	s24 =	sld [smem:$0x3FFE];
	[sflag:s23] =	ssyncadd.s32 $0xFFFFFFFF  }
0xa5: {  	s26 =	simm.s32 $execute0_lowered;
	[smem:$0x3FD2] =	sst s25  }
0xa6: {  	s4 =	sshll.u32 s26, $0x1;
	_ =	strace $0x80000046;
	[dreg:$0x1] =	wrdreg $0xFFFFFFFF  }
0xa7: {  	s28 =	simm.s32 $_size_execute0_lowered;
	s2 =	sadd.s32 s2, s4;
	[dreg:$0x0] =	wrdreg $0x0  }
0xa8: {  	s4 =	sshll.u32 s28, $0x1;
	[dreg:$0x2] =	wrdreg s2  }
0xa9: {  	[dreg:$0x3] =	wrdreg s4  }
0xaa: {  	[dreg:$0x4] =	wrdreg $0xC0  }
0xab: {  	_ =	task [dreg:s6], $0x5FFFF  }
0xac: {  	[dreg:$0x1] =	wrdreg $0xFFFFFFFF  }
0xad: {  	[dreg:$0x0] =	wrdreg $0x60  }
0xae: {  	[dreg:$0x2] =	wrdreg s24  }
0xaf: {  	[dreg:$0x3] =	wrdreg $0x9  }
0xb0: {  	_ =	task.clear_ibuf [dreg:s6], $0x4FFFF;
	_ =	strace $0x90000046  }
0xb1: {  	s29 =	simm.s32 $0x9;
	_ =	strace $0x80000048  }
0xb2: {  	_ =	swait.ge [sflag:s29], $0x1  }
0xb3: {  	[sflag:s29] =	ssyncadd.s32 $0xFFFFFFFF  }
0xb4: {  	_ =	strace $0x90000048  }
0xb5: {  	_ =	sfence  }
0xb6: {  	s30 =	sld [smem:$0x0];
	_ =	sdelay $0x2  }
0xb7: {  	s31 =	sshll.u32 s1, $0xD;
	s1 =	sshrl.u32 s1, $0x2  }
0xb8: {  	s3 =	sand.u32 $0x4000, s31;
	s1 =	sadd.s32 s1, s30  }
0xb9: {  	s0 =	sor.u32 s3, s0;
	s1 =	sshll.u32 s1, $0x11  }
0xba: {  	s0 =	sor.u32 s1, s0  }
0xbb: {  	s0 =	sadd.s32 $0x8F2B, s0  }
0xbc: {  	[sflag:s0] =	ssyncadd.remote.s32 $0x1  }
0xbd: {  	_ =	sfence.sel $0xFFFF  }
0xbe: {  	[dreg:$0x0] =	wrdreg $0xFFFFFFFF;
	(pc) =	sbr.abs _section_cstart, $3  }
0xbf: {  	[dreg:$0x1] =	wrdreg $0xFFFFFFFF  }
0xc0: {  	_ =	task.clear_ibuf [dreg:s6], $0x2FFFF;
	_ =	strace $0x9FFFFFFF  }
0xc1: {  	(tm) =	ssettm $0x7FFFFFFF  }
tec
execute0_lowered:
.L_overlay_start_1:
0x0: {  	(tag) =	ssettag $0x1  }
0x1: {  	s1 =	srdreg.scid  }
0x2: {  	s0 =	stileid.u32;
	s3 =	rddreg [dreg:$0x0]  }
0x3: {  	s2 =	simm.s32 $0x0;
	s8 =	simm.s32 $0xA80;
	s9 =	simm.s32 $0x0  }
0x4: {  	s4 =	sand.u32 $0x1, s1;
	s5 =	sshll.u32 s0, $0x1;
	s1 =	rddreg [dreg:$0x1]  }
0x5: {  	[smem:$0x7FF] =	sst s2;
	s5 =	sor.u32 s4, s5;
	s4 =	ssub.s32 $0x2, s4  }
0x6: {  	s6 =	smul.u32 $0x140, s5;
	s5 =	sshll.u32 s5, $0x4;
	s7 =	sshrl.u32 s4, $0x1  }
0x7: {  	_ =	strace $0x80000047;
	s5 =	sadd.s32 s5, s3;
	s7 =	ssub.s32 s4, s7  }
0x8: {  	v0 =	vlaneseq.u32;
	s6 =	sadd.s32 s6, s3;
	s4 =	sadd.s32 $0x2E00, s5;
	s5 =	smax.u32 s7, $0x1  }
0x9: {  	v1 =	vimm.f32 $0.0e+00;
	v2 =	vimm.f32 $1.000000000e+00;
	v3 =	vimm.s32 $0xF;
	s7 =	simm.s32 $0x1;
	s3 =	sadd.s32 $0x600, s6;
	s6 =	simm.s32 $0x10  }
.LBB2_1:
0xa: {  	v5 =	vimm.s32 $0x0  }
0xb: {  	[tilespmem:$0x0] =	vst v5  }
0xc: {  	[tilespmem:s6], [sflag:$0x1] =	stream.linear.gather [hbm4b:s3+s2], $0xA00, $0x38;
	[tilespmem:$0xB00] =	vst v63  }
0xd: {  	_ =	swait.ge [sflag:s7], $0xA00  }
0xe: {  	[sflag:s7] =	ssyncset.done $0x0  }
0xf: {  	s10 =	simm.s32 $0x410;
	[sflag:s7] =	ssyncadd.s32 $0xFFFFF600  }
0x10: {  	v4 =	vld [tilespmem:s10+$0xFFFFFC00]  }
0x11: {  	s11 =	simm.s32 $0xF  }
0x12: {  	v6 =	vadd.s32 s11, v0;
	_ =	sdelay $0x2  }
0x13: {  	v7 =	vld [tilespmem:s10+$0x0];
	(xrf0) =	vadd.scan.msk.s32 $0xffff, v4  }
0x14: {  	v8 =	vld [tilespmem:s10+$0x200]  }
0x15: {  	s20 =	simm.s32 $0x40F;
	s23 =	simm.s32 $0x0;
	v6 =	vld.idx.msk [tilespmem:v6+s2+$0x0], $0xffff  }
0x16: {  	s21 =	simm.s32 $0x60F;
	v9 =	vadd.s32 s20, v0;
	v14 =	vmov s23;
	v13 =	vld [tilespmem:s10+$0xFFFFFE00]  }
0x17: {  	s22 =	simm.s32 $0x80F;
	v11 =	vadd.s32 s21, v0;
	v10 =	vld [tilespmem:s10+$0x400]  }
0x18: {  	v12 =	vadd.s32 s22, v0;
	(xrf0) =	vadd.scan.msk.s32 $0xffff, v7  }
0x19: {  	vm2 =	vne.s32 v14, v0;
	v14, _, _ =	vpop (xrf0)  }
0x1a: {  	vm1 =	vgt.s32 v6, $0x0;
	(xrf0) =	vadd.scan.msk.s32 $0xffff, v8;
	v14 =	vadd.s32 v5, v14  }
0x1b: {  	v9 =	vld.idx.msk [tilespmem:v9+s2+$0x0], $0xffff;
	vm0 =	vlt.s32 v4, $0x1;
	vm5 =	vmand vm2, vm1;
	(xrf0) =	vadd.scan.msk.s32 $0xffff, v13;
	v4 =	vsub.s32 v14, v4  }
0x1c: {  	v11 =	vld.idx.msk [tilespmem:v11+s2+$0x0], $0xffff;
	vm1 =	vmor vm0, vm5;
	(xrf0) =	vadd.scan.msk.s32 $0xffff, v10;
	v4 =	vxor.u32 $0x80000000, v4  }
0x1d: {  	v6 =	vld.idx.msk [tilespmem:v12+s2+$0x0], $0xffff;
	v4 =	vsel vm1, $0x7FFFFFFF, v4  }
0x1e: {  	vm6 =	vlt.s32 v10, $0x1;
	v12, _, _ =	vpop (xrf0);
	(xrf0) =	vmax.scan.msk.u32 $0xffff, v4;
	v4 =	vimm.s32 $0x0  }
0x1f: {  	v4 =	vsel vm6, $0xFFFFFFFF, v4  }
0x20: {  	vm12 =	vlt.s32 v8, $0x1;
	vm3 =	vgt.s32 v9, $0x0;
	v15 =	vadd.s32 v5, v12;
	v12, _, _ =	vpop (xrf0)  }
0x21: {  	vm4 =	vlt.s32 v7, $0x1;
	vm8 =	vmand vm2, vm3;
	vm3 =	vgt.s32 v11, $0x0;
	v9, _, _ =	vpop (xrf0)  }
0x22: {  	v11 =	vimm.s32 $0x0;
	vm14 =	vmand vm2, vm3;
	vm3 =	vgt.s32 v6, $0x0;
	[tilespmem:$0x1FFE0] =	vst v4;
	v4, _, _ =	vpop (xrf0)  }
0x23: {  	vm7 =	vmor vm12, vm14;
	vm3 =	vmand vm2, vm3;
	v6 =	vadd.s32 v5, v4  }
0x24: {  	v11 =	vsel vm3, $0xFFFFFFFF, v11;
	v4 =	vadd.s32 v5, v12;
	v10 =	vsub.s32 v6, v10  }
0x25: {  	vm6 =	vmor vm6, vm3;
	v8 =	vsub.s32 v4, v8;
	v10 =	vxor.u32 $0x80000000, v10  }
0x26: {  	v7 =	vsub.s32 v15, v7;
	v8 =	vxor.u32 $0x80000000, v8;
	v10 =	vsel vm6, $0x7FFFFFFF, v10  }
0x27: {  	s24 =	simm.s32 $0x20F;
	v7 =	vxor.u32 $0x80000000, v7;
	vm3 =	vmor vm4, vm8;
	v8 =	vsel vm7, $0x7FFFFFFF, v8;
	(xrf0) =	vmax.scan.msk.u32 $0xffff, v10  }
0x28: {  	v7 =	vsel vm3, $0x7FFFFFFF, v7;
	(xrf0) =	vmax.scan.msk.u32 $0xffff, v8;
	v8 =	vadd.s32 s24, v0  }
0x29: {  	v10, _, _ =	vpop (xrf0);
	(xrf0) =	vmax.scan.msk.u32 $0xffff, v7  }
0x2a: {  	v10 =	vxor.u32 $0x80000000, v10  }
0x2b: {  	v17 =	vimm.s32 $0xFFFFFFFF  }
0x2c: {  	s28 =	simm.s32 $0x41F;
	s30 =	simm.s32 $0x61F;
	vm9 =	vgt.s32 v10, v17  }
0x2d: {  	v28 =	vadd.s32 s28, v0;
	v32 =	vadd.s32 s30, v0;
	v16 =	vsel vm9, v10, v17;
	v10, _, _ =	vpop (xrf0);
	v8 =	vld.idx.msk [tilespmem:v8+s2+$0x0], $0xffff  }
0x2e: {  	vm10 =	vlt.s32 v13, $0x1;
	v12 =	vimm.s32 $0x0;
	v18 =	vsub.s32 v14, v16;
	v19, _, _ =	vpop (xrf0)  }
0x2f: {  	[tilespmem:$0x1FFF0] =	vst v11;
	v12 =	vsel vm10, $0xFFFFFFFF, v12;
	v7 =	vand.u32 $0x3FF, v18;
	v10 =	vxor.u32 $0x80000000, v10;
	v11, _, _ =	vpop (xrf0)  }
0x30: {  	v7 =	vcvt.s32.f32 v7;
	vm9 =	vgt.s32 v10, v17;
	v11 =	vxor.u32 $0x80000000, v11  }
0x31: {  	v21 =	vadd.s32 v5, v9;
	[tilespmem:$0x1FFC0] =	vst v12;
	v12 =	vsel vm9, v10, v17;
	vm9 =	vgt.s32 v11, v17  }
0x32: {  	v7 =	vadd.f32 $1.000000010e-07, v7;
	v11 =	vsel vm9, v11, v17;
	vm9 =	vgt.s32 v8, $0x0  }
0x33: {  	v44 =	vld.idx.msk [tilespmem:v32+s2+$0x0], $0xffff;
	v10 =	vsub.s32 v6, v12;
	v8 =	vimm.s32 $0x0;
	vm2 =	vmand vm2, vm9  }
0x34: {  	(erf) = vrcp.f32 v7;
	v7 =	vand.u32 $0x3FF, v10;
	v8 =	vsel vm2, $0xFFFFFFFF, v8  }
0x35: {  	v20 =	vsub.s32 v15, v11;
	v5 =	vcvt.s32.f32 v7;
	[tilespmem:$0x1FFD0] =	vst v8;
	v8 =	vsub.s32 v21, v13  }
0x36: {  	s29 =	simm.s32 $0x10;
	v7 =	vand.u32 $0x3FF, v20;
	vm9 =	vmor vm10, vm2;
	v8 =	vxor.u32 $0x80000000, v8  }
0x37: {  	s25 =	simm.s32 $0x420;
	s31 =	simm.s32 $0x81F;
	v40 =	vmov s29;
	v7 =	vcvt.s32.f32 v7;
	v8 =	vsel vm9, $0x7FFFFFFF, v8  }
0x38: {  	v42 =	vadd.s32 s31, v0;
	vm13 =	vgt.s32 v44, $0x0;
	(xrf0) =	vmax.scan.msk.u32 $0xffff, v8;
	v8 =	vshrl.u32 v18, $0xA;
	v18 =	vld [tilespmem:s25+$0xFFFFFC00]  }
0x39: {  	s26 =	simm.s32 $0x1F;
	v22 =	vperm.xlane v15, v3;
	v24 =	vperm.xlane v21, v3;
	v9 =	vadd.f32 $1.000000010e-07, v7  }
0x3a: {  	v14 =	vperm.xlane v14, v3;
	v15 =	vadd.s32 s26, v0;
	v5 =	vadd.f32 $1.000000010e-07, v5  }
0x3b: {  	v23 =	vperm.xlane v16, v3;
	v6 =	vperm.xlane v6, v3;
	v20 =	vshrl.u32 v20, $0xA  }
0x3c: {  	v13 =	vxor.u32 $0x80000000, v19;
	(erf) = vrcp.f32 v5;
	v8 =	vcvt.s32.f32 v8  }
0x3d: {  	v20 =	vcvt.s32.f32 v20;
	v7 =	vsel vm1, $0x0, v2;
	(erf) = vrcp.f32 v9;
	v9 =	vpop (erf);
	(xrf0) =	vadd.scan.msk.s32 $0xffff, v18  }
0x3e: {  	v25 =	vld [tilespmem:s25+$0x0];
	vm1 =	vgt.s32 v13, v17;
	v5 =	vsel vm3, $0x0, v2;
	v16 =	vmul.f32 v8, v9  }
0x3f: {  	v15 =	vld.idx.msk [tilespmem:v15+s2+$0x0], $0xffff;
	v8 =	vsel vm9, $0x0, v2;
	v9 =	vsel vm1, v13, v17;
	vm9 =	vne.s32 v40, v0  }
0x40: {  	v26 =	vld [tilespmem:s25+$0x200];
	v13, _, _ =	vpop (xrf0);
	v19 =	vsub.s32 v4, v9;
	vm1 =	vge.f32 v16, $6.999999880e-01;
	vm3 =	vlt.f32 v16, $1.428571460e+00  }
0x41: {  	v29 =	vld [tilespmem:s25+$0xFFFFFE00];
	v4 =	vperm.xlane v4, v3;
	v13 =	vxor.u32 $0x80000000, v13;
	vm1 =	vmand vm1, vm3  }
0x42: {  	v31 =	vld [tilespmem:s25+$0x400];
	v16 =	vand.u32 $0x3FF, v19;
	vm1 =	vmand vm0, vm1;
	vm0 =	vgt.s32 v13, v17  }
0x43: {  	s12 =	simm.s32 $0x21F;
	v27 =	vcvt.s32.f32 v16;
	vm3 =	vlt.s32 v18, $0x1;
	v13 =	vsel vm0, v13, v17;
	v41, _, _ =	vpop (xrf0)  }
0x44: {  	(xrf0) =	vadd.scan.msk.s32 $0xffff, v25;
	v17 =	vadd.s32 s12, v0;
	vm0 =	vgt.s32 v15, $0x0;
	v14 =	vadd.s32 v14, v41  }
0x45: {  	(xrf0) =	vadd.scan.msk.s32 $0xffff, v26;
	v16 =	vpop (erf);
	v27 =	vadd.f32 $1.000000010e-07, v27;
	vm15 =	vmand vm9, vm0;
	v15 =	vsub.s32 v14, v18  }
0x46: {  	(xrf0) =	vadd.scan.msk.s32 $0xffff, v29;
	v30 =	vpop (erf);
	v21 =	vsub.s32 v21, v13;
	vm10 =	vmor vm3, vm15;
	v15 =	vxor.u32 $0x80000000, v15  }
0x47: {  	v43 =	vld.idx.msk [tilespmem:v28+s2+$0x0], $0xffff;
	(xrf0) =	vadd.scan.msk.s32 $0xffff, v31;
	v20 =	vmul.f32 v20, v30;
	(erf) = vrcp.f32 v27;
	v45 =	vsel vm10, $0x7FFFFFFF, v15  }
0x48: {  	v33 =	vshrl.u32 v19, $0xA;
	vm1 =	vmand vm5, vm1;
	v30 =	vld.idx.msk [tilespmem:v42+s2+$0x0], $0xffff;
	v18 =	vand.u32 $0x3FF, v21;
	(xrf0) =	vmax.scan.msk.u32 $0xffff, v45  }
0x49: {  	v51 =	vsel vm10, $0x0, v2;
	v18 =	vcvt.s32.f32 v18;
	vm5 =	vlt.f32 v20, $1.428571460e+00  }
0x4a: {  	v19, _, _ =	vpop (xrf0);
	v17 =	vld.idx.msk [tilespmem:v17+s2+$0x0], $0xffff;
	v15 =	vsel vm1, $0x3F800000, v1;
	vm1 =	vge.f32 v20, $6.999999880e-01;
	v20 =	vsel vm7, $0x0, v2  }
0x4b: {  	v46 =	vadd.f32 $1.000000010e-07, v18;
	v18 =	vadd.s32 v22, v19;
	v22, _, _ =	vpop (xrf0);
	vm1 =	vmand vm1, vm5  }
0x4c: {  	v19 =	vsel vm6, $0x0, v2;
	vm6 =	vgt.s32 v43, $0x0;
	v47, _, _ =	vpop (xrf0);
	vm1 =	vmand vm4, vm1  }
0x4d: {  	vm4 =	vgt.s32 v30, $0x0;
	v53 =	vadd.s32 v4, v22;
	v4 =	vsub.s32 v18, v25;
	v49, _, _ =	vpop (xrf0)  }
0x4e: {  	v22 =	vimm.s32 $0x0;
	(erf) = vrcp.f32 v46;
	vm5 =	vmand vm8, vm1;
	v50, _, _ =	vpop (xrf0)  }
0x4f: {  	vm7 =	vgt.s32 v17, $0x0;
	v17 =	vcvt.s32.f32 v33;
	v28 =	vxor.u32 $0x80000000, v50  }
0x50: {  	vm1 =	vmand vm9, vm6;
	vm8 =	vlt.s32 v31, $0x1;
	v48 =	vpop (erf);
	vm6 =	vgt.s32 v28, v23  }
0x51: {  	vm10 =	vmand vm9, vm4;
	v17 =	vmul.f32 v17, v48;
	v23 =	vsel vm6, v28, v23  }
0x52: {  	v6 =	vadd.s32 v6, v49;
	vm0 =	vmor vm8, vm10;
	v28 =	vsub.s32 v14, v23  }
0x53: {  	v22 =	vsel vm0, $0xFFFFFFFF, v22;
	vm4 =	vge.f32 v17, $6.999999880e-01;
	v52 =	vand.u32 $0x3FF, v28  }
0x54: {  	vm6 =	vlt.f32 v17, $1.428571460e+00;
	v17 =	vsub.s32 v6, v31;
	v31 =	vcvt.s32.f32 v52  }
0x55: {  	vm11 =	vmand vm9, vm7;
	vm7 =	vmand vm9, vm13;
	vm13 =	vmand vm4, vm6  }
0x56: {  	[tilespmem:$0x1FF90] =	vst v22;
	v17 =	vxor.u32 $0x80000000, v17;
	vm6 =	vlt.s32 v25, $0x1;
	v22 =	vadd.f32 $1.000000010e-07, v31  }
0x57: {  	vm9 =	vlt.s32 v26, $0x1;
	v17 =	vsel vm0, $0x7FFFFFFF, v17;
	vm0 =	vmor vm6, vm1  }
0x58: {  	(xrf0) =	vmax.scan.msk.u32 $0xffff, v17;
	v17 =	vsub.s32 v53, v26;
	(erf) = vrcp.f32 v22;
	v22 =	vimm.s32 $0x0  }
0x59: {  	v17 =	vxor.u32 $0x80000000, v17;
	v22 =	vsel vm1, $0xFFFFFFFF, v22;
	vm1 =	vmor vm9, vm7  }
0x5a: {  	vm12 =	vmmov vm12;
	v4 =	vxor.u32 $0x80000000, v4;
	v17 =	vsel vm1, $0x7FFFFFFF, v17  }
0x5b: {  	[tilespmem:$0x1FFA0] =	vst v22;
	v22 =	vsel vm0, $0x7FFFFFFF, v4;
	v4 =	vimm.s32 $0x0;
	(xrf0) =	vmax.scan.msk.u32 $0xffff, v17  }
0x5c: {  	v59 =	vld [tilespmem:$0x1FFC0];
	v12 =	vperm.xlane v12, v3;
	v11 =	vperm.xlane v11, v3;
	v4 =	vsel vm1, $0xFFFFFFFF, v4;
	(xrf0) =	vmax.scan.msk.u32 $0xffff, v22  }
0x5d: {  	v24 =	vadd.s32 v24, v47;
	v17 =	vshrl.u32 v21, $0xA;
	[tilespmem:$0x1FFB0] =	vst v4;
	v4 =	vsel vm0, $0x0, v2  }
0x5e: {  	v21, _, _ =	vpop (xrf0);
	vm0 =	vmand vm12, vm13;
	vm13 =	vmmov vm14;
	v17 =	vcvt.s32.f32 v17  }
0x5f: {  	v22 =	vsub.s32 v24, v29;
	vm12 =	vlt.s32 v29, $0x1;
	v21 =	vxor.u32 $0x80000000, v21  }
0x60: {  	v54 =	vpop (erf);
	v22 =	vxor.u32 $0x80000000, v22;
	vm14 =	vmor vm12, vm11;
	vm2 =	vmand vm13, vm0  }
0x61: {  	vm13 =	vgt.s32 v21, v12;
	vm0 =	vnez.u8 v59;
	v17 =	vmul.f32 v17, v54;
	v56, _, _ =	vpop (xrf0)  }
0x62: {  	v22 =	vsel vm14, $0x7FFFFFFF, v22;
	v55 =	vsel vm14, $0x0, v2;
	v12 =	vsel vm13, v21, v12;
	v57, _, _ =	vpop (xrf0)  }
0x63: {  	vm13 =	vge.f32 v17, $6.999999880e-01;
	vm14 =	vlt.f32 v17, $1.428571460e+00;
	v17 =	vxor.u32 $0x80000000, v57  }
0x64: {  	vm13 =	vmand vm13, vm14;
	vm14 =	vmmov vm0;
	vm0 =	vgt.s32 v17, v11  }
0x65: {  	v17 =	vsel vm0, v17, v11;
	v11 =	vld [tilespmem:$0x1FFD0];
	_ =	sdelay $0x1  }
0x66: {  	v10 =	vshrl.u32 v10, $0xA  }
0x67: {  	v10 =	vcvt.s32.f32 v10;
	v7 =	vadd.f32 v7, v1;
	_ =	sdelay $0x1  }
0x68: {  	v7 =	vadd.f32 v8, v7;
	v10 =	vmul.f32 v10, v16;
	vm0 =	vnez.u8 v11  }
0x69: {  	v21 =	vshrl.u32 v28, $0xA;
	vm13 =	vmand vm14, vm13;
	vm0 =	vmmov vm0  }
0x6a: {  	v5 =	vadd.f32 v5, v7;
	v21 =	vcvt.s32.f32 v21;
	vm0 =	vmand vm0, vm13  }
0x6b: {  	v58 =	vpop (erf);
	vm13 =	vge.f32 v10, $6.999999880e-01;
	v16 =	vsel vm0, $0x3F800000, v1;
	vm0 =	vlt.f32 v10, $1.428571460e+00;
	v10 =	vld [tilespmem:$0x1FFE0]  }
0x6c: {  	v21 =	vmul.f32 v21, v58  }
0x6d: {  	v5 =	vadd.f32 v20, v5  }
0x6e: {  	vm14 =	vge.f32 v21, $6.999999880e-01;
	vm1 =	vlt.f32 v21, $1.428571460e+00  }
0x6f: {  	v5 =	vadd.f32 v19, v5;
	(xrf0) =	vmax.scan.msk.u32 $0xffff, v22;
	v60 =	vsub.s32 v6, v12;
	vm1 =	vmand vm14, vm1  }
0x70: {  	vm1 =	vmand vm3, vm1;
	v11 =	vld [tilespmem:$0x1FFF0];
	vm3 =	vnez.u8 v10;
	v10 =	vand.u32 $0x3FF, v60  }
0x71: {  	v8 =	vperm.xlane v9, v3;
	v5 =	vadd.f32 v51, v5;
	v10 =	vcvt.s32.f32 v10  }
0x72: {  	v14 =	vperm.xlane v14, v3;
	v20 =	vsel vm2, $0x3F800000, v1;
	v7 =	vxor.u32 $0x80000000, v56  }
0x73: {  	vm0 =	vmand vm13, vm0;
	vm3 =	vmmov vm3;
	v10 =	vadd.f32 $1.000000010e-07, v10  }
0x74: {  	v21 =	vsel vm5, $0x3F800000, v1;
	vm1 =	vmand vm15, vm1;
	vm0 =	vmand vm3, vm0  }
0x75: {  	vm3 =	vnez.u8 v11;
	v11 =	vperm.xlane v13, v3;
	v13, _, _ =	vpop (xrf0);
	(erf) = vrcp.f32 v10  }
0x76: {  	v9 =	vsel vm1, $0x3F800000, v1;
	vm1 =	vgt.s32 v7, v8;
	v10 =	vxor.u32 $0x80000000, v13  }
0x77: {  	v62 =	vsub.s32 v18, v17;
	v7 =	vsel vm1, v7, v8;
	vm1 =	vgt.s32 v10, v11  }
0x78: {  	v8 =	vperm.xlane v18, v3;
	v61 =	vsel vm1, v10, v11;
	v10 =	vand.u32 $0x3FF, v62  }
0x79: {  	v19 =	vsub.s32 v53, v7;
	vm3 =	vmmov vm3;
	v18 =	vcvt.s32.f32 v10  }
0x7a: {  	v7 =	vperm.xlane v7, v3;
	vm0 =	vmand vm3, vm0;
	v13 =	vadd.f32 v15, v1  }
0x7b: {  	v15 =	vperm.xlane v24, v3;
	v11 =	vperm.xlane v23, v3;
	v18 =	vadd.f32 $1.000000010e-07, v18  }
0x7c: {  	v13 =	vadd.f32 v16, v13;
	v16 =	vadd.f32 v55, v5;
	v5 =	vshrl.u32 v60, $0xA  }
0x7d: {  	v22 =	vsel vm0, $0x3F800000, v1;
	v23 =	vcvt.s32.f32 v5;
	(erf) = vrcp.f32 v18  }
0x7e: {  	v10 =	vperm.xlane v53, v3;
	v5 =	vperm.xlane v12, v3;
	v63 =	vadd.f32 v21, v13;
	v12 =	vpop (erf)  }
0x7f: {  	v21 =	vshrl.u32 v19, $0xA;
	v18 =	vsub.s32 v24, v61;
	v13 =	vmul.f32 v23, v12  }
0x80: {  	s13 =	simm.s32 $0x82F;
	s10 =	simm.s32 $0x430;
	v23 =	vadd.f32 v20, v63;
	v12 =	vperm.xlane v61, v3;
	v20 =	vshrl.u32 v62, $0xA  }
.LBB2_2:
0x81: {  	v25 =	vand.u32 $0x3FF, v19;
	v38 =	vld [tilespmem:$0x1FFB0]  }
0x82: {  	vm0 =	vmmov vm12;
	v19 =	vadd.f32 v22, v23;
	v22 =	vimm.s32 $0x0  }
0x83: {  	v22 =	vsel vm0, $0xFFFFFFFF, v22  }
0x84: {  	v20 =	vcvt.s32.f32 v20;
	vm0 =	vmmov vm11;
	[tilespmem:$0x1FF50] =	vst v22;
	v22 =	vimm.s32 $0x0  }
0x85: {  	s11 =	sadd.s32 $0xFFFFF800, s13;
	v4 =	vadd.f32 v4, v16;
	v32 =	vimm.s32 $0x0;
	v22 =	vsel vm0, $0xFFFFFFFF, v22  }
0x86: {  	v24 =	vld [tilespmem:s10+$0xFFFFFC00];
	v39 =	vimm.s32 $0x0;
	[tilespmem:$0x1FF60] =	vst v22;
	v22 =	vadd.s32 s11, v0;
	v31 =	vpop (erf);
	vm0 =	vnez.u8 v38  }
0x87: {  	v27 =	vld [tilespmem:s10+$0x0];
	v20 =	vmul.f32 v20, v31;
	v31 =	vsel vm0, $0x0, v2;
	vm0 =	vmmov vm8  }
0x88: {  	v30 =	vld [tilespmem:s10+$0x200];
	v32 =	vsel vm0, $0xFFFFFFFF, v32;
	v4 =	vadd.f32 v31, v4;
	vm0 =	vmmov vm10  }
0x89: {  	s15 =	smov.u32 s13;
	v31 =	vsel vm0, $0xFFFFFFFF, v39;
	vm0 =	vge.f32 v20, $6.999999880e-01;
	vm2 =	vlt.f32 v20, $1.428571460e+00;
	v20 =	vld [tilespmem:$0x1FF90]  }
0x8a: {  	v16 =	vld [tilespmem:s10+$0xFFFFFE00];
	s30 =	sadd.s32 $0xFFFFFC00, s15  }
0x8b: {  	s14 =	sadd.s32 $0xFFFFFA00, s13;
	v28 =	vadd.s32 s30, v0;
	(xrf0) =	vadd.scan.msk.s32 $0xffff, v24  }
0x8c: {  	v17 =	vperm.xlane v17, v3;
	v41 =	vld [tilespmem:$0x1FFA0];
	v23 =	vadd.s32 s14, v0  }
0x8d: {  	s12 =	sadd.s32 $0xFFFFF7F1, s13;
	vm1 =	vmmov vm9;
	v43 =	vand.u32 $0x3FF, v18;
	v25 =	vcvt.s32.f32 v25;
	(xrf0) =	vadd.scan.msk.s32 $0xffff, v27;
	v22 =	vld.idx.msk [tilespmem:v22+s2+$0x0], $0xffff  }
0x8e: {  	s16 =	sadd.s32 $0xFFFFFE00, s15;
	v42 =	vmov s12;
	v44 =	vadd.s32 s15, v0;
	(xrf0) =	vadd.scan.msk.s32 $0xffff, v30;
	vm3 =	vnez.u8 v20  }
0x8f: {  	v26 =	vld [tilespmem:s10+$0x400];
	v29 =	vadd.s32 s16, v0;
	v25 =	vadd.f32 $1.000000010e-07, v25;
	(xrf0) =	vadd.scan.msk.s32 $0xffff, v16;
	v20 =	vsel vm3, $0x0, v2  }
0x90: {  	vm4 =	vne.s32 v42, v0;
	vm0 =	vmand vm0, vm2;
	v4 =	vadd.f32 v20, v4;
	v20 =	vld.idx.msk [tilespmem:v28+s2+$0x0], $0xffff  }
0x91: {  	(erf) = vrcp.f32 v25;
	v23 =	vld.idx.msk [tilespmem:v23+s2+$0x0], $0xffff;
	vm2 =	vnez.u8 v41;
	vm0 =	vmand vm6, vm0;
	v45, _, _ =	vpop (xrf0)  }
0x92: {  	vm3 =	vmand vm2, vm0;
	vm0 =	vgt.s32 v22, $0x0;
	v22 =	vadd.s32 v14, v45  }
0x93: {  	v46, _, _ =	vpop (xrf0);
	vm2 =	vlt.s32 v24, $0x1;
	vm0 =	vmand vm4, vm0;
	v14 =	vsub.s32 v22, v24  }
0x94: {  	v40 =	vld.idx.msk [tilespmem:v29+s2+$0x0], $0xffff;
	v47, _, _ =	vpop (xrf0);
	v24 =	vadd.s32 v8, v46;
	vm5 =	vmor vm2, vm0;
	v14 =	vxor.u32 $0x80000000, v14  }
0x95: {  	v8 =	vsel vm5, $0x7FFFFFFF, v14;
	v14 =	vsel vm5, $0x0, v2;
	vm5 =	vgt.s32 v20, $0x0;
	v20, _, _ =	vpop (xrf0);
	(xrf0) =	vadd.scan.msk.s32 $0xffff, v26  }
0x96: {  	vm14 =	vmmov vm7;
	v29 =	vcvt.s32.f32 v43;
	vm7 =	vgt.s32 v23, $0x0;
	v23 =	vld.idx.msk [tilespmem:v44+s2+$0x0], $0xffff;
	(xrf0) =	vmax.scan.msk.u32 $0xffff, v8  }
0x97: {  	v6 =	vperm.xlane v6, v3;
	v21 =	vcvt.s32.f32 v21;
	v18 =	vshrl.u32 v18, $0xA  }
0x98: {  	vm9 =	vlt.s32 v30, $0x1;
	vm8 =	vlt.s32 v26, $0x1;
	v29 =	vadd.f32 $1.000000010e-07, v29  }
0x99: {  	vm6 =	vlt.s32 v27, $0x1;
	vm11 =	vmand vm4, vm7;
	vm7 =	vgt.s32 v40, $0x0  }
0x9a: {  	vm7 =	vmand vm4, vm7;
	v49 =	vpop (erf);
	(erf) = vrcp.f32 v29;
	v50 =	vadd.s32 v10, v47  }
0x9b: {  	vm10 =	vgt.s32 v23, $0x0;
	v27 =	vsub.s32 v24, v27;
	v48 =	vadd.f32 v14, v4;
	v10, _, _ =	vpop (xrf0)  }
0x9c: {  	v4 =	vimm.s32 $0x0;
	vm5 =	vmand vm4, vm5;
	v6 =	vadd.s32 v6, v10;
	v10, _, _ =	vpop (xrf0)  }
0x9d: {  	vm10 =	vmand vm4, vm10;
	v4 =	vsel vm5, $0xFFFFFFFF, v4;
	v10 =	vxor.u32 $0x80000000, v10  }
0x9e: {  	vm13 =	vmor vm6, vm5;
	vm5 =	vmor vm8, vm10;
	vm4 =	vgt.s32 v10, v11  }
0x9f: {  	v23 =	vsub.s32 v6, v26;
	v10 =	vsel vm4, v10, v11;
	v11 =	vimm.s32 $0x0  }
0xa0: {  	v14 =	vperm.xlane v22, v3;
	v51 =	vxor.u32 $0x80000000, v23;
	v11 =	vsel vm5, $0xFFFFFFFF, v11  }
0xa1: {  	v22 =	vsub.s32 v22, v10;
	[tilespmem:$0x1FF90] =	vst v11;
	v11 =	vperm.xlane v10, v3;
	v10 =	vsub.s32 v50, v30  }
0xa2: {  	vm4 =	vmor vm9, vm7;
	v52 =	vsel vm5, $0x7FFFFFFF, v51;
	v10 =	vxor.u32 $0x80000000, v10  }
0xa3: {  	v20 =	vadd.s32 v15, v20;
	v15 =	vxor.u32 $0x80000000, v27;
	(xrf0) =	vmax.scan.msk.u32 $0xffff, v52;
	v10 =	vsel vm4, $0x7FFFFFFF, v10  }
0xa4: {  	v18 =	vcvt.s32.f32 v18;
	vm12 =	vlt.s32 v16, $0x1;
	v54 =	vsel vm13, $0x7FFFFFFF, v15;
	(xrf0) =	vmax.scan.msk.u32 $0xffff, v10  }
0xa5: {  	v21 =	vmul.f32 v21, v49;
	v53 =	vshrl.u32 v22, $0xA;
	v22 =	vand.u32 $0x3FF, v22;
	(xrf0) =	vmax.scan.msk.u32 $0xffff, v54  }
0xa6: {  	vm15 =	vmor vm12, vm11;
	v56 =	vsub.s32 v20, v16;
	v22 =	vcvt.s32.f32 v22  }
0xa7: {  	[tilespmem:$0x1FFA0] =	vst v4;
	v4 =	vsel vm13, $0x0, v2;
	v15 =	vimm.s32 $0x0;
	vm13 =	vge.f32 v21, $6.999999880e-01  }
0xa8: {  	v58 =	vxor.u32 $0x80000000, v56;
	v23 =	vpop (erf);
	v55 =	vadd.f32 $1.000000010e-07, v22;
	v22 =	vsel vm15, $0x0, v2  }
0xa9: {  	v27 =	vsel vm15, $0x7FFFFFFF, v58;
	v15 =	vsel vm4, $0xFFFFFFFF, v15;
	vm4 =	vlt.f32 v21, $1.428571460e+00;
	v21, _, _ =	vpop (xrf0)  }
0xaa: {  	vm4 =	vmand vm13, vm4;
	(erf) = vrcp.f32 v55;
	v57 =	vxor.u32 $0x80000000, v21;
	v21, _, _ =	vpop (xrf0)  }
0xab: {  	v60 =	vld [tilespmem:$0x1FF50];
	vm1 =	vmand vm1, vm4;
	v16 =	vadd.f32 v22, v48;
	vm4 =	vgt.s32 v57, v5;
	v22, _, _ =	vpop (xrf0)  }
0xac: {  	v18 =	vmul.f32 v18, v23;
	v5 =	vsel vm4, v57, v5;
	v22 =	vxor.u32 $0x80000000, v22  }
0xad: {  	vm1 =	vmand vm14, vm1;
	v23 =	vsub.s32 v6, v5;
	vm15 =	vgt.s32 v22, v17  }
0xae: {  	vm14 =	vlt.f32 v18, $1.428571460e+00;
	v59 =	vand.u32 $0x3FF, v23;
	v17 =	vsel vm15, v22, v17;
	v22 =	vld [tilespmem:$0x1FF60]  }
0xaf: {  	vm4 =	vge.f32 v18, $6.999999880e-01;
	v18 =	vxor.u32 $0x80000000, v21;
	v21 =	vcvt.s32.f32 v59  }
0xb0: {  	v9 =	vadd.f32 v9, v19;
	v8 =	vperm.xlane v24, v3;
	vm5 =	vnez.u8 v60  }
0xb1: {  	v61 =	vcvt.s32.f32 v53;
	vm4 =	vmand vm4, vm14;
	v21 =	vadd.f32 $1.000000010e-07, v21  }
0xb2: {  	[tilespmem:$0x1FF70] =	vst v32;
	vm13 =	vlt.f32 v13, $1.428571460e+00;
	vm4 =	vmand vm5, vm4;
	v24 =	vsub.s32 v24, v17  }
0xb3: {  	(xrf0) =	vmax.scan.msk.u32 $0xffff, v27;
	v19 =	vpop (erf);
	(erf) = vrcp.f32 v21;
	v21 =	vand.u32 $0x3FF, v24;
	vm5 =	vnez.u8 v22  }
0xb4: {  	v22 =	vsel vm3, $0x3F800000, v1;
	vm3 =	vge.f32 v13, $6.999999880e-01;
	v13 =	vcvt.s32.f32 v21;
	v21 =	vld [tilespmem:$0x1FF70]  }
0xb5: {  	[tilespmem:$0x1FFB0] =	vst v15;
	v15 =	vperm.xlane v20, v3;
	v10 =	vperm.xlane v50, v3  }
0xb6: {  	v5 =	vperm.xlane v5, v3;
	vm14 =	vgt.s32 v18, v7;
	v19 =	vmul.f32 v61, v19  }
0xb7: {  	v7 =	vsel vm14, v18, v7;
	v18 =	vsel vm1, $0x3F800000, v1;
	vm4 =	vmand vm5, vm4  }
0xb8: {  	[tilespmem:$0x1FF80] =	vst v31;
	vm15 =	vge.f32 v19, $6.999999880e-01;
	vm5 =	vlt.f32 v19, $1.428571460e+00;
	v19 =	vsel vm4, $0x3F800000, v1  }
0xb9: {  	v62, _, _ =	vpop (xrf0);
	v13 =	vadd.f32 $1.000000010e-07, v13;
	vm4 =	vnez.u8 v21;
	v21 =	vadd.f32 v19, v9;
	v9 =	vld [tilespmem:$0x1FF80]  }
0xba: {  	v26 =	vxor.u32 $0x80000000, v62;
	vm3 =	vmand vm3, vm13;
	vm5 =	vmand vm15, vm5  }
0xbb: {  	vm2 =	vmand vm2, vm5;
	(erf) = vrcp.f32 v13;
	v13 =	vshrl.u32 v23, $0xA  }
0xbc: {  	p0 =	sne.s32 s13, $0x9FF;
	vm0 =	vmand vm0, vm2;
	v19 =	vsub.s32 v50, v7;
	v13 =	vcvt.s32.f32 v13  }
.Ltmp0:
0xbd: {  	v7 =	vperm.xlane v7, v3;
	vm3 =	vmand vm4, vm3;
	v63 =	vpop (erf);
	v23 =	vadd.f32 v22, v21;
	(pc) =	sbr.rel @p0 .LBB2_2-.Ltmp0, $4  }
0xbe: {  	v21 =	vshrl.u32 v19, $0xA;
	v13 =	vmul.f32 v13, v63;
	vm2 =	vnez.u8 v9  }
0xbf: {  	v9 =	vsel vm0, $0x3F800000, v1;
	vm0 =	vgt.s32 v26, v12;
	vm2 =	vmand vm2, vm3  }
0xc0: {  	s31 =	sadd.s32 $0x10, s13;
	v23 =	vadd.f32 v18, v23;
	v12 =	vsel vm0, v26, v12;
	v22 =	vsel vm2, $0x3F800000, v1  }
0xc1: {  	s10 =	sadd.s32 $0x10, s10;
	s13 =	smov.u32 s31;
	v18 =	vsub.s32 v20, v12;
	v12 =	vperm.xlane v12, v3;
	v20 =	vshrl.u32 v24, $0xA  }
0xc2: {  	v19 =	vand.u32 $0x3FF, v19  }
0xc3: {  	v19 =	vcvt.s32.f32 v19;
	_ =	sdelay $0x1  }
0xc4: {  	v19 =	vadd.f32 $1.000000010e-07, v19  }
0xc5: {  	v60 =	vand.u32 $0x3FF, v18;
	v20 =	vcvt.s32.f32 v20;
	v21 =	vcvt.s32.f32 v21  }
0xc6: {  	(erf) = vrcp.f32 v19;
	v19 =	vcvt.s32.f32 v60  }
0xc7: {  	v17 =	vperm.xlane v17, v3;
	v63 =	vadd.f32 v22, v23;
	vm15 =	vmmov vm9  }
0xc8: {  	v23 =	vshrl.u32 v18, $0xA;
	vm3 =	vmmov vm12;
	v19 =	vadd.f32 $1.000000010e-07, v19  }
0xc9: {  	vm4 =	vmmov vm11;
	v6 =	vperm.xlane v6, v3;
	vm5 =	vmmov vm8  }
0xca: {  	v11 =	vsub.s32 v14, v11;
	vm9 =	vmmov vm7;
	(erf) = vrcp.f32 v19  }
0xcb: {  	vm7 =	vmmov vm10;
	v7 =	vsub.s32 v10, v7;
	v4 =	vadd.f32 v4, v16  }
0xcc: {  	v18 =	vcvt.s32.f32 v23;
	v26 =	vand.u32 $0x3FF, v11;
	v12 =	vsub.s32 v15, v12  }
0xcd: {  	v11 =	vshrl.u32 v11, $0xA;
	v37 =	vand.u32 $0x3FF, v7;
	v54 =	vshrl.u32 v7, $0xA  }
0xce: {  	v15 =	vand.u32 $0x3FF, v12;
	v9 =	vadd.f32 v9, v63;
	v8 =	vsub.s32 v8, v17  }
0xcf: {  	v27 =	vld [tilespmem:$0x1FFA0];
	v36 =	vcvt.s32.f32 v11;
	v11 =	vcvt.s32.f32 v37;
	v5 =	vsub.s32 v6, v5  }
0xd0: {  	v40 =	vld [tilespmem:$0x400];
	v12 =	vshrl.u32 v12, $0xA;
	v29 =	vcvt.s32.f32 v15;
	v17 =	vand.u32 $0x3FF, v8  }
0xd1: {  	v45 =	vld [tilespmem:$0x600];
	v61 =	vpop (erf);
	v41 =	vand.u32 $0x3FF, v5;
	v42 =	vcvt.s32.f32 v12;
	v8 =	vshrl.u32 v8, $0xA  }
0xd2: {  	v53 =	vld [tilespmem:$0x800];
	v5 =	vshrl.u32 v5, $0xA;
	v32 =	vcvt.s32.f32 v17;
	v46 =	vcvt.s32.f32 v8;
	v62 =	vpop (erf)  }
0xd3: {  	v11 =	vadd.f32 $1.000000010e-07, v11;
	v5 =	vcvt.s32.f32 v5;
	v19 =	vmul.f32 v20, v61;
	v24 =	vpop (erf)  }
0xd4: {  	v55 =	vld [tilespmem:$0xA00];
	vm11 =	vnez.u8 v27;
	v25 =	vmul.f32 v18, v24;
	v18 =	vcvt.s32.f32 v26  }
0xd5: {  	v14 =	vadd.f32 $1.000000010e-07, v29;
	v10 =	vperm.xlane v40, v3;
	vm0 =	vge.f32 v19, $6.999999880e-01  }
0xd6: {  	vm1 =	vlt.f32 v19, $1.428571460e+00;
	v20 =	vmul.f32 v21, v62;
	v28 =	vadd.f32 $1.000000010e-07, v18  }
0xd7: {  	v30 =	vld [tilespmem:$0x200];
	v52 =	vperm.xlane v45, v3;
	v58 =	vperm.xlane v53, v3;
	vm0 =	vmand vm0, vm1  }
0xd8: {  	vm14 =	vge.f32 v20, $6.999999880e-01;
	vm2 =	vlt.f32 v20, $1.428571460e+00;
	(erf) = vrcp.f32 v28  }
0xd9: {  	v60 =	vperm.xlane v55, v3;
	vm0 =	vmand vm6, vm0;
	vm1 =	vmand vm14, vm2  }
0xda: {  	vm14 =	vlt.f32 v13, $1.428571460e+00;
	vm1 =	vmand vm15, vm1;
	(erf) = vrcp.f32 v14  }
0xdb: {  	vm12 =	vge.f32 v25, $6.999999880e-01;
	vm13 =	vlt.f32 v25, $1.428571460e+00;
	v14 =	vadd.f32 $1.000000010e-07, v32  }
0xdc: {  	vm15 =	vge.f32 v13, $6.999999880e-01;
	v13 =	vperm.xlane v30, v3;
	vm2 =	vmand vm12, vm13  }
0xdd: {  	vm2 =	vmand vm3, vm2;
	vm3 =	vmand vm15, vm14;
	(erf) = vrcp.f32 v14  }
0xde: {  	vm0 =	vmand vm11, vm0;
	vm1 =	vmand vm9, vm1;
	vm5 =	vmand vm5, vm3  }
0xdf: {  	vm6 =	vmand vm7, vm5;
	vm7 =	vgt.s32 v13, $0x0;
	v13 =	vcvt.s32.f32 v41  }
0xe0: {  	v33 =	vsel vm0, $0x3F800000, v1;
	v34 =	vsel vm1, $0x3F800000, v1;
	vm2 =	vmand vm4, vm2  }
0xe1: {  	v31 =	vsel vm2, $0x3F800000, v1;
	v44 =	vadd.f32 $1.000000010e-07, v13;
	v38 =	vpop (erf);
	(erf) = vrcp.f32 v11  }
0xe2: {  	vm12 =	vcmask $0x300;
	vm13 =	vgt.s32 v10, $0x0;
	v9 =	vadd.f32 v31, v9  }
0xe3: {  	v48 =	vsel vm12, $0x3F800000, v1;
	v39 =	vmul.f32 v36, v38;
	v43 =	vpop (erf);
	(erf) = vrcp.f32 v44  }
0xe4: {  	vm5 =	vgt.s32 v52, $0x0;
	v9 =	vadd.f32 v33, v9;
	v6 =	vmul.f32 v42, v43  }
0xe5: {  	v35 =	vsel vm6, $0x3F800000, v1;
	vm8 =	vge.f32 v39, $6.999999880e-01;
	vm9 =	vlt.f32 v39, $1.428571460e+00  }
0xe6: {  	v9 =	vadd.f32 v34, v9;
	v47 =	vpop (erf);
	vm1 =	vmand vm8, vm9;
	vm10 =	vge.f32 v6, $6.999999880e-01  }
0xe7: {  	v61 =	vld [tilespmem:$0x1FFB0];
	vm11 =	vlt.f32 v6, $1.428571460e+00;
	v6 =	vmul.f32 v46, v47;
	vm0 =	vmand vm1, vm7  }
0xe8: {  	v9 =	vadd.f32 v35, v9;
	vm1 =	vmand vm10, vm11;
	v49 =	vnsel vm0, $0x0, v48  }
0xe9: {  	vm15 =	vge.f32 v6, $6.999999880e-01;
	vm4 =	vlt.f32 v6, $1.428571460e+00;
	v6 =	vcvt.s32.f32 v54  }
0xea: {  	vm14 =	vmand vm1, vm13;
	v50 =	vadd.f32 v49, v9;
	vm0 =	vmand vm15, vm4;
	v56 =	vpop (erf)  }
0xeb: {  	v51 =	vnsel vm14, $0x0, v48;
	vm0 =	vmand vm0, vm5;
	v6 =	vmul.f32 v6, v56  }
0xec: {  	vm12 =	vnez.u8 v61;
	v8 =	vadd.f32 v51, v50;
	v57 =	vnsel vm0, $0x0, v48;
	v59 =	vpop (erf)  }
0xed: {  	v63 =	vld [tilespmem:$0x1FF90];
	v5 =	vmul.f32 v5, v59;
	vm6 =	vge.f32 v6, $6.999999880e-01;
	vm7 =	vlt.f32 v6, $1.428571460e+00  }
0xee: {  	vm8 =	vgt.s32 v58, $0x0;
	v8 =	vadd.f32 v57, v8;
	vm0 =	vmand vm6, vm7  }
0xef: {  	vm9 =	vge.f32 v5, $6.999999880e-01;
	vm10 =	vlt.f32 v5, $1.428571460e+00;
	vm0 =	vmand vm0, vm8  }
0xf0: {  	vm11 =	vgt.s32 v60, $0x0;
	vm1 =	vmand vm9, vm10;
	v5 =	vnsel vm0, $0x0, v48  }
0xf1: {  	v6 =	vsel vm12, $0x0, v2;
	vm0 =	vmand vm1, vm11;
	v5 =	vadd.f32 v5, v8  }
0xf2: {  	vm13 =	vnez.u8 v63;
	v4 =	vadd.f32 v6, v4;
	v62 =	vnsel vm0, $0x0, v48  }
0xf3: {  	v7 =	vsel vm13, $0x0, v2;
	v5 =	vadd.f32 v62, v5  }
0xf4: {  	v4 =	vadd.f32 v7, v4  }
0xf5: {  	(xrf2) =	vadd.scan.msk.f32 $0xffff, v5  }
0xf6: {  	(xrf2) =	vadd.scan.msk.f32 $0xffff, v4;
	_ =	sdelay $0x8  }
0xf7: {  	v4, _, _ =	vpop (xrf2)  }
0xf8: {  	v5, _, _ =	vpop (xrf2)  }
0xf9: {  	v5 =	vbroadcast v5, $0xF  }
0xfa: {  	vm14 =	vcmask $0x704;
	v4 =	vbroadcast v4, $0xF  }
0xfb: {  	s9 =	sadd.s32 $0x1, s9;
	vm15 =	vcmask $0x3F04;
	v5 =	vnsel vm14, $0x0, v5  }
0xfc: {  	p0 =	sne.s32 s9, s5;
	v4 =	vsel vm15, v5, v4  }
.Ltmp1:
0xfd: {  	[tilespmem:$0xA80] =	vst v4;
	(pc) =	sbr.rel @p0 .LBB2_1-.Ltmp1, $4  }
0xfe: {  	[hbm4b:s4+s2] =	stream.linear.scatter [tilespmem:s8], [sflag:$0x1], $0x80, $0x38;
	[tilespmem:$0xB00] =	vst v63  }
0xff: {  	_ =	swait.ge [sflag:s7], $0x80  }
0x100: {  	[sflag:s7] =	ssyncset.done $0x0  }
0x101: {  	[sflag:s7] =	ssyncadd.s32 $0xFFFFFF80  }
0x102: {  	_ =	sfence.sel $0x180000  }
0x103: {  	[bflag:$0x0] =	sbarrier.arrive $0xFFFF  }
0x104: {  	p0 =	sne.s32 s0, $0x0;
	_ =	strace $0x90000047  }
0x105: {  	s0 =	sadd.s32 @!p0 $0x100000, s1;
	[bflag:$0x2] =	sbarrier.arrive $0xFFFF  }
0x106: {  	[sflag:s0] =	ssyncadd.tile.s32 @!p0 $0x1;
	_ =	shalt  }
.Lfunc_end2:
_tile_overlayer_lowered:
.L_overlay_start_2:
0x107: {  	(tag) =	ssettag $0x2  }
0x108: {  	s0 =	rddreg [dreg:$0x0];
	s2 =	stileid.u32  }
0x109: {  	s1 =	rddreg [dreg:$0x1];
	p0 =	sne.s32 s2, $0x0  }
0x10a: {  	s3 =	rddreg [dreg:$0x2];
	[bflag:$0x3] =	sbarrier.arrive $0xFFFF;
	s2 =	simm.s32 @!p0 $0x1C01  }
0x10b: {  	[timem:s3], [sflag:s2] =	dma.local @!p0 [hbm:s0], s1  }
0x10c: {  	s0 =	simm.s32 @!p0 $0x1  }
0x10d: {  	_ =	swait.ge @!p0 [sflag:s0], s1  }
0x10e: {  	s1 =	ssub.s32 @!p0 $0x0, s1;
	[sflag:s0] =	ssyncset.done @!p0 $0x0  }
0x10f: {  	[sflag:s0] =	ssyncadd.s32 @!p0 s1  }
0x110: {  	[bflag:$0x3] =	sbarrier.arrive $0xFFFF  }
0x111: {  	_ =	shalt  }

</sc_bundles>
